<compile_context>
chip_gen: v7x
topology: tpu7x:2x2x1
jax: 0.10.2.dev20260603
libtpu: 0.0.44.dev20260713+nightly
codegen_flags: <defaults>
</compile_context>

<pallas_src>
import functools

import jax
import jax.numpy as jnp
from jax import lax
from jax.experimental import pallas as pl
from jax.experimental.pallas import tpu as pltpu
from jax.experimental.pallas import tpu_sc as plsc

B = 16384
LATENT = 32

_NC = 2
_NS = 16
_NW = _NC * _NS
_BPW = B // _NW
_CH = 128
_NCH = _BPW // _CH
_VL = 16
_NQ = 4
_QROWS = B // _NQ

_mesh = plsc.VectorSubcoreMesh(core_axis_name="c", subcore_axis_name="s")


@functools.partial(
    pl.kernel,
    mesh=_mesh,
    compiler_params=pltpu.CompilerParams(
        use_tc_tiling_on_sc=False, needs_layout_passes=False),
    out_type=(
        jax.ShapeDtypeStruct((B, LATENT), jnp.float32),
        jax.ShapeDtypeStruct((B, LATENT), jnp.float32),
    ),
    scratch_types=[
        pltpu.VMEM((_NCH, _CH), jnp.int32),
        pltpu.VMEM((_NCH, _CH), jnp.int32),
        pltpu.VMEM((_NCH, _CH), jnp.int32),
        pltpu.VMEM((_NCH, _CH), jnp.int32),
        pltpu.VMEM((_BPW, LATENT), jnp.float32),
        pltpu.VMEM((_BPW, LATENT), jnp.float32),
        pltpu.SemaphoreType.DMA,
        pltpu.SemaphoreType.DMA,
    ],
)
def _sc_gather(uid_hbm, iid_hbm, utab_hbm, itab_hbm, ue_hbm, ie_hbm,
               uidx_v, iidx_v, updx_v, ipdx_v, urows_v, irows_v, sem, sem2):
    wid = lax.axis_index("s") * _NC + lax.axis_index("c")
    base = _CH * wid
    stage = []
    for q in range(_NQ):
        stage.append(pltpu.async_copy(
            uid_hbm.at[pl.ds(q * _QROWS + base, _CH)], uidx_v.at[q], sem2))
        stage.append(pltpu.async_copy(
            iid_hbm.at[pl.ds(q * _QROWS + base, _CH)], iidx_v.at[q], sem2))
    for c in stage:
        c.wait()
    iota = lax.iota(jnp.int32, _VL)
    for t in range(_NCH):
        for g in range(_CH // _VL):
            row = iota & 3
            col = (32 * t + 4 * g) + (iota >> 2)
            sl = pl.ds(g * _VL, _VL)
            updx_v[t, sl] = plsc.load_gather(uidx_v, [row, col]) - 1
            ipdx_v[t, sl] = plsc.load_gather(iidx_v, [row, col]) - 1
    copies = []
    for t in range(_NCH):
        copies.append(pltpu.async_copy(
            utab_hbm.at[updx_v.at[t]], urows_v.at[pl.ds(t * _CH, _CH)], sem))
        copies.append(pltpu.async_copy(
            itab_hbm.at[ipdx_v.at[t]], irows_v.at[pl.ds(t * _CH, _CH)], sem))
    for c in copies:
        c.wait()
    pltpu.sync_copy(urows_v, ue_hbm.at[pl.ds(_BPW * wid, _BPW)])
    pltpu.sync_copy(irows_v, ie_hbm.at[pl.ds(_BPW * wid, _BPW)])


_BLK4 = 1024


def _mlp_body(ue4_ref, ie4_ref, w1_ref, b1_ref, w2_ref, b2_ref,
              w3_ref, b3_ref, w4_ref, b4_ref, out_ref):
    f32 = jnp.float32
    dims = (((1,), (1,)), ((), ()))
    ue4 = ue4_ref[...]
    ie4 = ie4_ref[...]
    w1 = w1_ref[...]
    b1 = b1_ref[...][None, :]
    b2 = b2_ref[...][None, :]
    b3 = b3_ref[...][None, :]
    b4 = b4_ref[...][None, :]
    for c in range(_NQ):
        ue = ue4[:, c * LATENT:(c + 1) * LATENT]
        ie = ie4[:, c * LATENT:(c + 1) * LATENT]
        xcat = jnp.concatenate([ue, ie, ue * ie], axis=1)
        x = lax.dot_general(xcat, w1, dims, preferred_element_type=f32) + b1
        x = jnp.maximum(x, 0.0)
        x = jnp.maximum(
            lax.dot_general(x, w2_ref[...], dims, preferred_element_type=f32)
            + b2, 0.0)
        x = jnp.maximum(
            lax.dot_general(x, w3_ref[...], dims, preferred_element_type=f32)
            + b3, 0.0)
        out_ref[c, :, :] = (
            lax.dot_general(x, w4_ref[...], dims, preferred_element_type=f32)
            + b4)


def _const_spec(shape):
    return pl.BlockSpec(shape, lambda i: (0,) * len(shape))


_mlp_call = pl.pallas_call(
    _mlp_body,
    grid=(_QROWS // _BLK4,),
    in_specs=[
        pl.BlockSpec((_BLK4, 128), lambda i: (i, 0)),
        pl.BlockSpec((_BLK4, 128), lambda i: (i, 0)),
        _const_spec((128, 3 * LATENT)),
        _const_spec((128,)),
        _const_spec((128, 128)),
        _const_spec((128,)),
        _const_spec((20, 128)),
        _const_spec((20,)),
        _const_spec((5, 20)),
        _const_spec((5,)),
    ],
    out_specs=pl.BlockSpec((_NQ, _BLK4, 5), lambda i: (0, i, 0)),
    out_shape=jax.ShapeDtypeStruct((_NQ, _QROWS, 5), jnp.float32),
)


def kernel(user_id, item_id, emb_user, emb_item, W1, b1, W2, b2, W3, b3, W4, b4):
    ue, ie = _sc_gather(user_id, item_id, emb_user, emb_item)
    ue4 = ue.reshape(_QROWS, 128)
    ie4 = ie.reshape(_QROWS, 128)
    out = _mlp_call(ue4, ie4, W1, b1, W2, b2, W3, b3, W4, b4)
    return out.reshape(B, 5)

# --- scband reference (transcript-rebuilt; emitter-appended) ---
"""Pipeline reference for scband-ncf-38371237822635 (READ-ONLY COPY).

The authoritative reference and input builder live on the scoring server;
editing this copy changes nothing except your own understanding.
"""

import jax, jax.numpy as jnp
import numpy as np

B = 16384
NUM_USERS = 10000
NUM_ITEMS = 1000
LATENT = 32


def setup_inputs(seed: int = 0) -> dict:
    key = jax.random.key(seed)
    ks = jax.random.split(key, 12)
    # NCF forward does (id - 1), so ids are 1-based: sample in [1, num_embeddings]
    user_id = jax.random.randint(ks[0], (B,), 1, NUM_USERS + 1, dtype=jnp.int32)
    item_id = jax.random.randint(ks[1], (B,), 1, NUM_ITEMS + 1, dtype=jnp.int32)
    emb_user = jax.random.normal(ks[2], (NUM_USERS, LATENT), dtype=jnp.float32)
    emb_item = jax.random.normal(ks[3], (NUM_ITEMS, LATENT), dtype=jnp.float32)
    W1 = jax.random.normal(ks[4], (128, 3 * LATENT), dtype=jnp.float32) * 0.05
    b1 = jnp.zeros((128,), dtype=jnp.float32)
    W2 = jax.random.normal(ks[5], (128, 128), dtype=jnp.float32) * 0.05
    b2 = jnp.zeros((128,), dtype=jnp.float32)
    W3 = jax.random.normal(ks[6], (20, 128), dtype=jnp.float32) * 0.05
    b3 = jnp.zeros((20,), dtype=jnp.float32)
    W4 = jax.random.normal(ks[7], (5, 20), dtype=jnp.float32) * 0.05
    b4 = jnp.zeros((5,), dtype=jnp.float32)
    return {"user_id": user_id, "item_id": item_id,
            "emb_user": emb_user, "emb_item": emb_item,
            "W1": W1, "b1": b1, "W2": W2, "b2": b2,
            "W3": W3, "b3": b3, "W4": W4, "b4": b4}


def reference(user_id, item_id, emb_user, emb_item, W1, b1, W2, b2, W3, b3, W4, b4):
    # embedding lookups (1-based ids -> 0-based rows)
    ue = jnp.take(emb_user, user_id - 1, axis=0)
    ie = jnp.take(emb_item, item_id - 1, axis=0)
    x = jnp.concatenate([ue, ie, ue * ie], axis=1)  # [B, 3*latent]
    # dense stack: Linear -> Dropout(identity in eval) -> ReLU, repeated; final Linear
    x = jnp.maximum(x @ W1.T + b1, 0.0)
    x = jnp.maximum(x @ W2.T + b2, 0.0)
    x = jnp.maximum(x @ W3.T + b3, 0.0)
    x = x @ W4.T + b4
    return x

if __name__ == "__main__":
    import jax
    _d = setup_inputs()
    print(jax.jit(kernel)(*tuple(_d.values())))

</pallas_src>

<mosaic_0001>
#map = affine_map<(d0, d1) -> (0)>
#map1 = affine_map<(d0, d1) -> (0, 0)>
module attributes {stable_mosaic.version = 14 : i64} {
  func.func @_sc_gather(%arg0: i32, %arg1: i32, %arg2: memref<16384xi32, #tpu.memory_space<hbm>>, %arg3: memref<16384xi32, #tpu.memory_space<hbm>>, %arg4: memref<10000x32xf32, #tpu.memory_space<hbm>>, %arg5: memref<1000x32xf32, #tpu.memory_space<hbm>>, %arg6: memref<16384x32xf32, #tpu.memory_space<hbm>>, %arg7: memref<16384x32xf32, #tpu.memory_space<hbm>>, %arg8: memref<4x128xi32, #tpu.memory_space<vmem>>, %arg9: memref<4x128xi32, #tpu.memory_space<vmem>>, %arg10: memref<4x128xi32, #tpu.memory_space<vmem>>, %arg11: memref<4x128xi32, #tpu.memory_space<vmem>>, %arg12: memref<512x32xf32, #tpu.memory_space<vmem>>, %arg13: memref<512x32xf32, #tpu.memory_space<vmem>>, %arg14: memref<!tpu.dma_semaphore, #tpu.memory_space<semaphore_mem>>, %arg15: memref<!tpu.dma_semaphore, #tpu.memory_space<semaphore_mem>>) attributes {dimension_semantics = [#tpu.dimension_semantics<core_parallel>, #tpu.dimension_semantics<subcore_parallel>], iteration_bounds = array<i64: 2, 16>, scalar_prefetch = 0 : i64, scratch_operands = 8 : i64, tpu.core_type = #tpu.core_type<sc_vector_subcore>, window_params = [{transform_indices = #map}, {transform_indices = #map}, {transform_indices = #map1}, {transform_indices = #map1}, {transform_indices = #map1}, {transform_indices = #map1}]} {
    %mul3A = arith.constant 2 : i32
    %mul3A_0 = arith.muli %arg1, %mul3A : i32
    %add3A = arith.addi %mul3A_0, %arg0 : i32
    %mul3A_1 = arith.constant 128 : i32
    %mul3A_2 = arith.muli %mul3A_1, %add3A : i32
    %add3A_3 = arith.constant 0 : i32
    %add3A_4 = arith.addi %add3A_3, %mul3A_2 : i32
    %dma_start3A = arith.constant 0 : i32
    %dma_start3A_5 = arith.constant 0 : i32
    %dma_start3A_6 = tpu.memref_slice %arg8[%dma_start3A, %dma_start3A_5] : memref<4x128xi32, #tpu.memory_space<vmem>> -> memref<1x128xi32, #tpu.memory_space<vmem>>
    %dma_start3A_7 = tpu.memref_squeeze %dma_start3A_6 : memref<1x128xi32, #tpu.memory_space<vmem>> -> memref<128xi32, #tpu.memory_space<vmem>>
    %dma_start3A_8 = tpu.memref_slice %arg2[%add3A_4] : memref<16384xi32, #tpu.memory_space<hbm>> -> memref<128xi32, #tpu.memory_space<hbm>>
    %dma_start3A_9 = arith.constant 0 : i32
    %dma_start3A_10 = tpu.memref_slice %arg8[%dma_start3A, %dma_start3A_9] : memref<4x128xi32, #tpu.memory_space<vmem>> -> memref<1x128xi32, #tpu.memory_space<vmem>>
    %dma_start3A_11 = tpu.memref_squeeze %dma_start3A_10 : memref<1x128xi32, #tpu.memory_space<vmem>> -> memref<128xi32, #tpu.memory_space<vmem>>
    %dma_start3A_12 = tpu.memref_slice %arg2[%add3A_4] : memref<16384xi32, #tpu.memory_space<hbm>> -> memref<128xi32, #tpu.memory_space<hbm>>
    tpu.enqueue_dma source(%dma_start3A_12 : memref<128xi32, #tpu.memory_space<hbm>>) target(%dma_start3A_11 : memref<128xi32, #tpu.memory_space<vmem>>) target_semaphore(%arg15 : memref<!tpu.dma_semaphore, #tpu.memory_space<semaphore_mem>>)
    %add3A_13 = arith.constant 0 : i32
    %add3A_14 = arith.addi %add3A_13, %mul3A_2 : i32
    %dma_start3A_15 = arith.constant 0 : i32
    %dma_start3A_16 = arith.constant 0 : i32
    %dma_start3A_17 = tpu.memref_slice %arg9[%dma_start3A_15, %dma_start3A_16] : memref<4x128xi32, #tpu.memory_space<vmem>> -> memref<1x128xi32, #tpu.memory_space<vmem>>
    %dma_start3A_18 = tpu.memref_squeeze %dma_start3A_17 : memref<1x128xi32, #tpu.memory_space<vmem>> -> memref<128xi32, #tpu.memory_space<vmem>>
    %dma_start3A_19 = tpu.memref_slice %arg3[%add3A_14] : memref<16384xi32, #tpu.memory_space<hbm>> -> memref<128xi32, #tpu.memory_space<hbm>>
    %dma_start3A_20 = arith.constant 0 : i32
    %dma_start3A_21 = tpu.memref_slice %arg9[%dma_start3A_15, %dma_start3A_20] : memref<4x128xi32, #tpu.memory_space<vmem>> -> memref<1x128xi32, #tpu.memory_space<vmem>>
    %dma_start3A_22 = tpu.memref_squeeze %dma_start3A_21 : memref<1x128xi32, #tpu.memory_space<vmem>> -> memref<128xi32, #tpu.memory_space<vmem>>
    %dma_start3A_23 = tpu.memref_slice %arg3[%add3A_14] : memref<16384xi32, #tpu.memory_space<hbm>> -> memref<128xi32, #tpu.memory_space<hbm>>
    tpu.enqueue_dma source(%dma_start3A_23 : memref<128xi32, #tpu.memory_space<hbm>>) target(%dma_start3A_22 : memref<128xi32, #tpu.memory_space<vmem>>) target_semaphore(%arg15 : memref<!tpu.dma_semaphore, #tpu.memory_space<semaphore_mem>>)
    %add3A_24 = arith.constant 4096 : i32
    %add3A_25 = arith.addi %add3A_24, %mul3A_2 : i32
    %dma_start3A_26 = arith.constant 1 : i32
    %dma_start3A_27 = arith.constant 0 : i32
    %dma_start3A_28 = tpu.memref_slice %arg8[%dma_start3A_26, %dma_start3A_27] : memref<4x128xi32, #tpu.memory_space<vmem>> -> memref<1x128xi32, #tpu.memory_space<vmem>>
    %dma_start3A_29 = tpu.memref_squeeze %dma_start3A_28 : memref<1x128xi32, #tpu.memory_space<vmem>> -> memref<128xi32, #tpu.memory_space<vmem>>
    %dma_start3A_30 = tpu.memref_slice %arg2[%add3A_25] : memref<16384xi32, #tpu.memory_space<hbm>> -> memref<128xi32, #tpu.memory_space<hbm>>
    %dma_start3A_31 = arith.constant 0 : i32
    %dma_start3A_32 = tpu.memref_slice %arg8[%dma_start3A_26, %dma_start3A_31] : memref<4x128xi32, #tpu.memory_space<vmem>> -> memref<1x128xi32, #tpu.memory_space<vmem>>
    %dma_start3A_33 = tpu.memref_squeeze %dma_start3A_32 : memref<1x128xi32, #tpu.memory_space<vmem>> -> memref<128xi32, #tpu.memory_space<vmem>>
    %dma_start3A_34 = tpu.memref_slice %arg2[%add3A_25] : memref<16384xi32, #tpu.memory_space<hbm>> -> memref<128xi32, #tpu.memory_space<hbm>>
    tpu.enqueue_dma source(%dma_start3A_34 : memref<128xi32, #tpu.memory_space<hbm>>) target(%dma_start3A_33 : memref<128xi32, #tpu.memory_space<vmem>>) target_semaphore(%arg15 : memref<!tpu.dma_semaphore, #tpu.memory_space<semaphore_mem>>)
    %add3A_35 = arith.constant 4096 : i32
    %add3A_36 = arith.addi %add3A_35, %mul3A_2 : i32
    %dma_start3A_37 = arith.constant 1 : i32
    %dma_start3A_38 = arith.constant 0 : i32
    %dma_start3A_39 = tpu.memref_slice %arg9[%dma_start3A_37, %dma_start3A_38] : memref<4x128xi32, #tpu.memory_space<vmem>> -> memref<1x128xi32, #tpu.memory_space<vmem>>
    %dma_start3A_40 = tpu.memref_squeeze %dma_start3A_39 : memref<1x128xi32, #tpu.memory_space<vmem>> -> memref<128xi32, #tpu.memory_space<vmem>>
    %dma_start3A_41 = tpu.memref_slice %arg3[%add3A_36] : memref<16384xi32, #tpu.memory_space<hbm>> -> memref<128xi32, #tpu.memory_space<hbm>>
    %dma_start3A_42 = arith.constant 0 : i32
    %dma_start3A_43 = tpu.memref_slice %arg9[%dma_start3A_37, %dma_start3A_42] : memref<4x128xi32, #tpu.memory_space<vmem>> -> memref<1x128xi32, #tpu.memory_space<vmem>>
    %dma_start3A_44 = tpu.memref_squeeze %dma_start3A_43 : memref<1x128xi32, #tpu.memory_space<vmem>> -> memref<128xi32, #tpu.memory_space<vmem>>
    %dma_start3A_45 = tpu.memref_slice %arg3[%add3A_36] : memref<16384xi32, #tpu.memory_space<hbm>> -> memref<128xi32, #tpu.memory_space<hbm>>
    tpu.enqueue_dma source(%dma_start3A_45 : memref<128xi32, #tpu.memory_space<hbm>>) target(%dma_start3A_44 : memref<128xi32, #tpu.memory_space<vmem>>) target_semaphore(%arg15 : memref<!tpu.dma_semaphore, #tpu.memory_space<semaphore_mem>>)
    %add3A_46 = arith.constant 8192 : i32
    %add3A_47 = arith.addi %add3A_46, %mul3A_2 : i32
    %dma_start3A_48 = arith.constant 2 : i32
    %dma_start3A_49 = arith.constant 0 : i32
    %dma_start3A_50 = tpu.memref_slice %arg8[%dma_start3A_48, %dma_start3A_49] : memref<4x128xi32, #tpu.memory_space<vmem>> -> memref<1x128xi32, #tpu.memory_space<vmem>>
    %dma_start3A_51 = tpu.memref_squeeze %dma_start3A_50 : memref<1x128xi32, #tpu.memory_space<vmem>> -> memref<128xi32, #tpu.memory_space<vmem>>
    %dma_start3A_52 = tpu.memref_slice %arg2[%add3A_47] : memref<16384xi32, #tpu.memory_space<hbm>> -> memref<128xi32, #tpu.memory_space<hbm>>
    %dma_start3A_53 = arith.constant 0 : i32
    %dma_start3A_54 = tpu.memref_slice %arg8[%dma_start3A_48, %dma_start3A_53] : memref<4x128xi32, #tpu.memory_space<vmem>> -> memref<1x128xi32, #tpu.memory_space<vmem>>
    %dma_start3A_55 = tpu.memref_squeeze %dma_start3A_54 : memref<1x128xi32, #tpu.memory_space<vmem>> -> memref<128xi32, #tpu.memory_space<vmem>>
    %dma_start3A_56 = tpu.memref_slice %arg2[%add3A_47] : memref<16384xi32, #tpu.memory_space<hbm>> -> memref<128xi32, #tpu.memory_space<hbm>>
    tpu.enqueue_dma source(%dma_start3A_56 : memref<128xi32, #tpu.memory_space<hbm>>) target(%dma_start3A_55 : memref<128xi32, #tpu.memory_space<vmem>>) target_semaphore(%arg15 : memref<!tpu.dma_semaphore, #tpu.memory_space<semaphore_mem>>)
    %add3A_57 = arith.constant 8192 : i32
    %add3A_58 = arith.addi %add3A_57, %mul3A_2 : i32
    %dma_start3A_59 = arith.constant 2 : i32
    %dma_start3A_60 = arith.constant 0 : i32
    %dma_start3A_61 = tpu.memref_slice %arg9[%dma_start3A_59, %dma_start3A_60] : memref<4x128xi32, #tpu.memory_space<vmem>> -> memref<1x128xi32, #tpu.memory_space<vmem>>
    %dma_start3A_62 = tpu.memref_squeeze %dma_start3A_61 : memref<1x128xi32, #tpu.memory_space<vmem>> -> memref<128xi32, #tpu.memory_space<vmem>>
    %dma_start3A_63 = tpu.memref_slice %arg3[%add3A_58] : memref<16384xi32, #tpu.memory_space<hbm>> -> memref<128xi32, #tpu.memory_space<hbm>>
    %dma_start3A_64 = arith.constant 0 : i32
    %dma_start3A_65 = tpu.memref_slice %arg9[%dma_start3A_59, %dma_start3A_64] : memref<4x128xi32, #tpu.memory_space<vmem>> -> memref<1x128xi32, #tpu.memory_space<vmem>>
    %dma_start3A_66 = tpu.memref_squeeze %dma_start3A_65 : memref<1x128xi32, #tpu.memory_space<vmem>> -> memref<128xi32, #tpu.memory_space<vmem>>
    %dma_start3A_67 = tpu.memref_slice %arg3[%add3A_58] : memref<16384xi32, #tpu.memory_space<hbm>> -> memref<128xi32, #tpu.memory_space<hbm>>
    tpu.enqueue_dma source(%dma_start3A_67 : memref<128xi32, #tpu.memory_space<hbm>>) target(%dma_start3A_66 : memref<128xi32, #tpu.memory_space<vmem>>) target_semaphore(%arg15 : memref<!tpu.dma_semaphore, #tpu.memory_space<semaphore_mem>>)
    %add3A_68 = arith.constant 12288 : i32
    %add3A_69 = arith.addi %add3A_68, %mul3A_2 : i32
    %dma_start3A_70 = arith.constant 3 : i32
    %dma_start3A_71 = arith.constant 0 : i32
    %dma_start3A_72 = tpu.memref_slice %arg8[%dma_start3A_70, %dma_start3A_71] : memref<4x128xi32, #tpu.memory_space<vmem>> -> memref<1x128xi32, #tpu.memory_space<vmem>>
    %dma_start3A_73 = tpu.memref_squeeze %dma_start3A_72 : memref<1x128xi32, #tpu.memory_space<vmem>> -> memref<128xi32, #tpu.memory_space<vmem>>
    %dma_start3A_74 = tpu.memref_slice %arg2[%add3A_69] : memref<16384xi32, #tpu.memory_space<hbm>> -> memref<128xi32, #tpu.memory_space<hbm>>
    %dma_start3A_75 = arith.constant 0 : i32
    %dma_start3A_76 = tpu.memref_slice %arg8[%dma_start3A_70, %dma_start3A_75] : memref<4x128xi32, #tpu.memory_space<vmem>> -> memref<1x128xi32, #tpu.memory_space<vmem>>
    %dma_start3A_77 = tpu.memref_squeeze %dma_start3A_76 : memref<1x128xi32, #tpu.memory_space<vmem>> -> memref<128xi32, #tpu.memory_space<vmem>>
    %dma_start3A_78 = tpu.memref_slice %arg2[%add3A_69] : memref<16384xi32, #tpu.memory_space<hbm>> -> memref<128xi32, #tpu.memory_space<hbm>>
    tpu.enqueue_dma source(%dma_start3A_78 : memref<128xi32, #tpu.memory_space<hbm>>) target(%dma_start3A_77 : memref<128xi32, #tpu.memory_space<vmem>>) target_semaphore(%arg15 : memref<!tpu.dma_semaphore, #tpu.memory_space<semaphore_mem>>)
    %add3A_79 = arith.constant 12288 : i32
    %add3A_80 = arith.addi %add3A_79, %mul3A_2 : i32
    %dma_start3A_81 = arith.constant 3 : i32
    %dma_start3A_82 = arith.constant 0 : i32
    %dma_start3A_83 = tpu.memref_slice %arg9[%dma_start3A_81, %dma_start3A_82] : memref<4x128xi32, #tpu.memory_space<vmem>> -> memref<1x128xi32, #tpu.memory_space<vmem>>
    %dma_start3A_84 = tpu.memref_squeeze %dma_start3A_83 : memref<1x128xi32, #tpu.memory_space<vmem>> -> memref<128xi32, #tpu.memory_space<vmem>>
    %dma_start3A_85 = tpu.memref_slice %arg3[%add3A_80] : memref<16384xi32, #tpu.memory_space<hbm>> -> memref<128xi32, #tpu.memory_space<hbm>>
    %dma_start3A_86 = arith.constant 0 : i32
    %dma_start3A_87 = tpu.memref_slice %arg9[%dma_start3A_81, %dma_start3A_86] : memref<4x128xi32, #tpu.memory_space<vmem>> -> memref<1x128xi32, #tpu.memory_space<vmem>>
    %dma_start3A_88 = tpu.memref_squeeze %dma_start3A_87 : memref<1x128xi32, #tpu.memory_space<vmem>> -> memref<128xi32, #tpu.memory_space<vmem>>
    %dma_start3A_89 = tpu.memref_slice %arg3[%add3A_80] : memref<16384xi32, #tpu.memory_space<hbm>> -> memref<128xi32, #tpu.memory_space<hbm>>
    tpu.enqueue_dma source(%dma_start3A_89 : memref<128xi32, #tpu.memory_space<hbm>>) target(%dma_start3A_88 : memref<128xi32, #tpu.memory_space<vmem>>) target_semaphore(%arg15 : memref<!tpu.dma_semaphore, #tpu.memory_space<semaphore_mem>>)
    %dma_wait3A = arith.constant 0 : i32
    %dma_wait3A_90 = arith.constant 0 : i32
    %dma_wait3A_91 = tpu.memref_slice %arg8[%dma_wait3A, %dma_wait3A_90] : memref<4x128xi32, #tpu.memory_space<vmem>> -> memref<1x128xi32, #tpu.memory_space<vmem>>
    %dma_wait3A_92 = tpu.memref_squeeze %dma_wait3A_91 : memref<1x128xi32, #tpu.memory_space<vmem>> -> memref<128xi32, #tpu.memory_space<vmem>>
    %dma_wait3A_93 = tpu.memref_slice %arg2[%add3A_4] : memref<16384xi32, #tpu.memory_space<hbm>> -> memref<128xi32, #tpu.memory_space<hbm>>
    %dma_wait3A_94 = arith.constant 0 : i32
    %dma_wait3A_95 = tpu.memref_slice %arg8[%dma_wait3A, %dma_wait3A_94] : memref<4x128xi32, #tpu.memory_space<vmem>> -> memref<1x128xi32, #tpu.memory_space<vmem>>
    %dma_wait3A_96 = tpu.memref_squeeze %dma_wait3A_95 : memref<1x128xi32, #tpu.memory_space<vmem>> -> memref<128xi32, #tpu.memory_space<vmem>>
    %dma_wait3A_97 = tpu.memref_slice %arg2[%add3A_4] : memref<16384xi32, #tpu.memory_space<hbm>> -> memref<128xi32, #tpu.memory_space<hbm>>
    tpu.wait_dma2 semaphore(%arg15 : memref<!tpu.dma_semaphore, #tpu.memory_space<semaphore_mem>>) src(%dma_wait3A_97 : memref<128xi32, #tpu.memory_space<hbm>>) dst(%dma_wait3A_96 : memref<128xi32, #tpu.memory_space<vmem>>)
    %dma_wait3A_98 = arith.constant 0 : i32
    %dma_wait3A_99 = arith.constant 0 : i32
    %dma_wait3A_100 = tpu.memref_slice %arg9[%dma_wait3A_98, %dma_wait3A_99] : memref<4x128xi32, #tpu.memory_space<vmem>> -> memref<1x128xi32, #tpu.memory_space<vmem>>
    %dma_wait3A_101 = tpu.memref_squeeze %dma_wait3A_100 : memref<1x128xi32, #tpu.memory_space<vmem>> -> memref<128xi32, #tpu.memory_space<vmem>>
    %dma_wait3A_102 = tpu.memref_slice %arg3[%add3A_14] : memref<16384xi32, #tpu.memory_space<hbm>> -> memref<128xi32, #tpu.memory_space<hbm>>
    %dma_wait3A_103 = arith.constant 0 : i32
    %dma_wait3A_104 = tpu.memref_slice %arg9[%dma_wait3A_98, %dma_wait3A_103] : memref<4x128xi32, #tpu.memory_space<vmem>> -> memref<1x128xi32, #tpu.memory_space<vmem>>
    %dma_wait3A_105 = tpu.memref_squeeze %dma_wait3A_104 : memref<1x128xi32, #tpu.memory_space<vmem>> -> memref<128xi32, #tpu.memory_space<vmem>>
    %dma_wait3A_106 = tpu.memref_slice %arg3[%add3A_14] : memref<16384xi32, #tpu.memory_space<hbm>> -> memref<128xi32, #tpu.memory_space<hbm>>
    tpu.wait_dma2 semaphore(%arg15 : memref<!tpu.dma_semaphore, #tpu.memory_space<semaphore_mem>>) src(%dma_wait3A_106 : memref<128xi32, #tpu.memory_space<hbm>>) dst(%dma_wait3A_105 : memref<128xi32, #tpu.memory_space<vmem>>)
    %dma_wait3A_107 = arith.constant 1 : i32
    %dma_wait3A_108 = arith.constant 0 : i32
    %dma_wait3A_109 = tpu.memref_slice %arg8[%dma_wait3A_107, %dma_wait3A_108] : memref<4x128xi32, #tpu.memory_space<vmem>> -> memref<1x128xi32, #tpu.memory_space<vmem>>
    %dma_wait3A_110 = tpu.memref_squeeze %dma_wait3A_109 : memref<1x128xi32, #tpu.memory_space<vmem>> -> memref<128xi32, #tpu.memory_space<vmem>>
    %dma_wait3A_111 = tpu.memref_slice %arg2[%add3A_25] : memref<16384xi32, #tpu.memory_space<hbm>> -> memref<128xi32, #tpu.memory_space<hbm>>
    %dma_wait3A_112 = arith.constant 0 : i32
    %dma_wait3A_113 = tpu.memref_slice %arg8[%dma_wait3A_107, %dma_wait3A_112] : memref<4x128xi32, #tpu.memory_space<vmem>> -> memref<1x128xi32, #tpu.memory_space<vmem>>
    %dma_wait3A_114 = tpu.memref_squeeze %dma_wait3A_113 : memref<1x128xi32, #tpu.memory_space<vmem>> -> memref<128xi32, #tpu.memory_space<vmem>>
    %dma_wait3A_115 = tpu.memref_slice %arg2[%add3A_25] : memref<16384xi32, #tpu.memory_space<hbm>> -> memref<128xi32, #tpu.memory_space<hbm>>
    tpu.wait_dma2 semaphore(%arg15 : memref<!tpu.dma_semaphore, #tpu.memory_space<semaphore_mem>>) src(%dma_wait3A_115 : memref<128xi32, #tpu.memory_space<hbm>>) dst(%dma_wait3A_114 : memref<128xi32, #tpu.memory_space<vmem>>)
    %dma_wait3A_116 = arith.constant 1 : i32
    %dma_wait3A_117 = arith.constant 0 : i32
    %dma_wait3A_118 = tpu.memref_slice %arg9[%dma_wait3A_116, %dma_wait3A_117] : memref<4x128xi32, #tpu.memory_space<vmem>> -> memref<1x128xi32, #tpu.memory_space<vmem>>
    %dma_wait3A_119 = tpu.memref_squeeze %dma_wait3A_118 : memref<1x128xi32, #tpu.memory_space<vmem>> -> memref<128xi32, #tpu.memory_space<vmem>>
    %dma_wait3A_120 = tpu.memref_slice %arg3[%add3A_36] : memref<16384xi32, #tpu.memory_space<hbm>> -> memref<128xi32, #tpu.memory_space<hbm>>
    %dma_wait3A_121 = arith.constant 0 : i32
    %dma_wait3A_122 = tpu.memref_slice %arg9[%dma_wait3A_116, %dma_wait3A_121] : memref<4x128xi32, #tpu.memory_space<vmem>> -> memref<1x128xi32, #tpu.memory_space<vmem>>
    %dma_wait3A_123 = tpu.memref_squeeze %dma_wait3A_122 : memref<1x128xi32, #tpu.memory_space<vmem>> -> memref<128xi32, #tpu.memory_space<vmem>>
    %dma_wait3A_124 = tpu.memref_slice %arg3[%add3A_36] : memref<16384xi32, #tpu.memory_space<hbm>> -> memref<128xi32, #tpu.memory_space<hbm>>
    tpu.wait_dma2 semaphore(%arg15 : memref<!tpu.dma_semaphore, #tpu.memory_space<semaphore_mem>>) src(%dma_wait3A_124 : memref<128xi32, #tpu.memory_space<hbm>>) dst(%dma_wait3A_123 : memref<128xi32, #tpu.memory_space<vmem>>)
    %dma_wait3A_125 = arith.constant 2 : i32
    %dma_wait3A_126 = arith.constant 0 : i32
    %dma_wait3A_127 = tpu.memref_slice %arg8[%dma_wait3A_125, %dma_wait3A_126] : memref<4x128xi32, #tpu.memory_space<vmem>> -> memref<1x128xi32, #tpu.memory_space<vmem>>
    %dma_wait3A_128 = tpu.memref_squeeze %dma_wait3A_127 : memref<1x128xi32, #tpu.memory_space<vmem>> -> memref<128xi32, #tpu.memory_space<vmem>>
    %dma_wait3A_129 = tpu.memref_slice %arg2[%add3A_47] : memref<16384xi32, #tpu.memory_space<hbm>> -> memref<128xi32, #tpu.memory_space<hbm>>
    %dma_wait3A_130 = arith.constant 0 : i32
    %dma_wait3A_131 = tpu.memref_slice %arg8[%dma_wait3A_125, %dma_wait3A_130] : memref<4x128xi32, #tpu.memory_space<vmem>> -> memref<1x128xi32, #tpu.memory_space<vmem>>
    %dma_wait3A_132 = tpu.memref_squeeze %dma_wait3A_131 : memref<1x128xi32, #tpu.memory_space<vmem>> -> memref<128xi32, #tpu.memory_space<vmem>>
    %dma_wait3A_133 = tpu.memref_slice %arg2[%add3A_47] : memref<16384xi32, #tpu.memory_space<hbm>> -> memref<128xi32, #tpu.memory_space<hbm>>
    tpu.wait_dma2 semaphore(%arg15 : memref<!tpu.dma_semaphore, #tpu.memory_space<semaphore_mem>>) src(%dma_wait3A_133 : memref<128xi32, #tpu.memory_space<hbm>>) dst(%dma_wait3A_132 : memref<128xi32, #tpu.memory_space<vmem>>)
    %dma_wait3A_134 = arith.constant 2 : i32
    %dma_wait3A_135 = arith.constant 0 : i32
    %dma_wait3A_136 = tpu.memref_slice %arg9[%dma_wait3A_134, %dma_wait3A_135] : memref<4x128xi32, #tpu.memory_space<vmem>> -> memref<1x128xi32, #tpu.memory_space<vmem>>
    %dma_wait3A_137 = tpu.memref_squeeze %dma_wait3A_136 : memref<1x128xi32, #tpu.memory_space<vmem>> -> memref<128xi32, #tpu.memory_space<vmem>>
    %dma_wait3A_138 = tpu.memref_slice %arg3[%add3A_58] : memref<16384xi32, #tpu.memory_space<hbm>> -> memref<128xi32, #tpu.memory_space<hbm>>
    %dma_wait3A_139 = arith.constant 0 : i32
    %dma_wait3A_140 = tpu.memref_slice %arg9[%dma_wait3A_134, %dma_wait3A_139] : memref<4x128xi32, #tpu.memory_space<vmem>> -> memref<1x128xi32, #tpu.memory_space<vmem>>
    %dma_wait3A_141 = tpu.memref_squeeze %dma_wait3A_140 : memref<1x128xi32, #tpu.memory_space<vmem>> -> memref<128xi32, #tpu.memory_space<vmem>>
    %dma_wait3A_142 = tpu.memref_slice %arg3[%add3A_58] : memref<16384xi32, #tpu.memory_space<hbm>> -> memref<128xi32, #tpu.memory_space<hbm>>
    tpu.wait_dma2 semaphore(%arg15 : memref<!tpu.dma_semaphore, #tpu.memory_space<semaphore_mem>>) src(%dma_wait3A_142 : memref<128xi32, #tpu.memory_space<hbm>>) dst(%dma_wait3A_141 : memref<128xi32, #tpu.memory_space<vmem>>)
    %dma_wait3A_143 = arith.constant 3 : i32
    %dma_wait3A_144 = arith.constant 0 : i32
    %dma_wait3A_145 = tpu.memref_slice %arg8[%dma_wait3A_143, %dma_wait3A_144] : memref<4x128xi32, #tpu.memory_space<vmem>> -> memref<1x128xi32, #tpu.memory_space<vmem>>
    %dma_wait3A_146 = tpu.memref_squeeze %dma_wait3A_145 : memref<1x128xi32, #tpu.memory_space<vmem>> -> memref<128xi32, #tpu.memory_space<vmem>>
    %dma_wait3A_147 = tpu.memref_slice %arg2[%add3A_69] : memref<16384xi32, #tpu.memory_space<hbm>> -> memref<128xi32, #tpu.memory_space<hbm>>
    %dma_wait3A_148 = arith.constant 0 : i32
    %dma_wait3A_149 = tpu.memref_slice %arg8[%dma_wait3A_143, %dma_wait3A_148] : memref<4x128xi32, #tpu.memory_space<vmem>> -> memref<1x128xi32, #tpu.memory_space<vmem>>
    %dma_wait3A_150 = tpu.memref_squeeze %dma_wait3A_149 : memref<1x128xi32, #tpu.memory_space<vmem>> -> memref<128xi32, #tpu.memory_space<vmem>>
    %dma_wait3A_151 = tpu.memref_slice %arg2[%add3A_69] : memref<16384xi32, #tpu.memory_space<hbm>> -> memref<128xi32, #tpu.memory_space<hbm>>
    tpu.wait_dma2 semaphore(%arg15 : memref<!tpu.dma_semaphore, #tpu.memory_space<semaphore_mem>>) src(%dma_wait3A_151 : memref<128xi32, #tpu.memory_space<hbm>>) dst(%dma_wait3A_150 : memref<128xi32, #tpu.memory_space<vmem>>)
    %dma_wait3A_152 = arith.constant 3 : i32
    %dma_wait3A_153 = arith.constant 0 : i32
    %dma_wait3A_154 = tpu.memref_slice %arg9[%dma_wait3A_152, %dma_wait3A_153] : memref<4x128xi32, #tpu.memory_space<vmem>> -> memref<1x128xi32, #tpu.memory_space<vmem>>
    %dma_wait3A_155 = tpu.memref_squeeze %dma_wait3A_154 : memref<1x128xi32, #tpu.memory_space<vmem>> -> memref<128xi32, #tpu.memory_space<vmem>>
    %dma_wait3A_156 = tpu.memref_slice %arg3[%add3A_80] : memref<16384xi32, #tpu.memory_space<hbm>> -> memref<128xi32, #tpu.memory_space<hbm>>
    %dma_wait3A_157 = arith.constant 0 : i32
    %dma_wait3A_158 = tpu.memref_slice %arg9[%dma_wait3A_152, %dma_wait3A_157] : memref<4x128xi32, #tpu.memory_space<vmem>> -> memref<1x128xi32, #tpu.memory_space<vmem>>
    %dma_wait3A_159 = tpu.memref_squeeze %dma_wait3A_158 : memref<1x128xi32, #tpu.memory_space<vmem>> -> memref<128xi32, #tpu.memory_space<vmem>>
    %dma_wait3A_160 = tpu.memref_slice %arg3[%add3A_80] : memref<16384xi32, #tpu.memory_space<hbm>> -> memref<128xi32, #tpu.memory_space<hbm>>
    tpu.wait_dma2 semaphore(%arg15 : memref<!tpu.dma_semaphore, #tpu.memory_space<semaphore_mem>>) src(%dma_wait3A_160 : memref<128xi32, #tpu.memory_space<hbm>>) dst(%dma_wait3A_159 : memref<128xi32, #tpu.memory_space<vmem>>)
    %iota3A = tpu.iota {dimensions = array<i32: 0>} : vector<16xi32>
    %and3A = arith.constant 3 : i32
    %and3A_161 = vector.broadcast %and3A : i32 to vector<16xi32>
    %and3A_162 = arith.andi %iota3A, %and3A_161 : vector<16xi32>
    %shift_right_arithmetic3A = arith.constant 2 : i32
    %shift_right_arithmetic3A_163 = vector.broadcast %shift_right_arithmetic3A : i32 to vector<16xi32>
    %shift_right_arithmetic3A_164 = arith.shrsi %iota3A, %shift_right_arithmetic3A_163 : vector<16xi32>
    %add3A_165 = arith.constant 0 : i32
    %add3A_166 = vector.broadcast %add3A_165 : i32 to vector<16xi32>
    %add3A_167 = arith.addi %add3A_166, %shift_right_arithmetic3A_164 : vector<16xi32>
    %gather3A = tpu.vector_load_idx %arg8[%and3A_162, %add3A_167] : memref<4x128xi32, #tpu.memory_space<vmem>>[vector<16xi32>, vector<16xi32>], vector<16xi32>,
    %sub3A = arith.constant 1 : i32
    %sub3A_168 = vector.broadcast %sub3A : i32 to vector<16xi32>
    %sub3A_169 = arith.subi %gather3A, %sub3A_168 : vector<16xi32>
    %swap3A = arith.constant 0 : i32
    %swap3A_170 = arith.index_cast %swap3A : i32 to index
    %swap3A_171 = arith.constant 0 : index
    %swap3A_172 = tpu.vector_load %arg10[%swap3A_170, %swap3A_171] {strides = array<i32>} : memref<4x128xi32, #tpu.memory_space<vmem>>, vector<16xi32>,
    tpu.vector_store %arg10[%swap3A_170, %swap3A_171], %sub3A_169 {strides = array<i32>} : memref<4x128xi32, #tpu.memory_space<vmem>>, vector<16xi32>,
    %gather3A_173 = tpu.vector_load_idx %arg9[%and3A_162, %add3A_167] : memref<4x128xi32, #tpu.memory_space<vmem>>[vector<16xi32>, vector<16xi32>], vector<16xi32>,
    %sub3A_174 = arith.constant 1 : i32
    %sub3A_175 = vector.broadcast %sub3A_174 : i32 to vector<16xi32>
    %sub3A_176 = arith.subi %gather3A_173, %sub3A_175 : vector<16xi32>
    %swap3A_177 = arith.constant 0 : i32
    %swap3A_178 = arith.index_cast %swap3A_177 : i32 to index
    %swap3A_179 = arith.constant 0 : index
    %swap3A_180 = tpu.vector_load %arg11[%swap3A_178, %swap3A_179] {strides = array<i32>} : memref<4x128xi32, #tpu.memory_space<vmem>>, vector<16xi32>,
    tpu.vector_store %arg11[%swap3A_178, %swap3A_179], %sub3A_176 {strides = array<i32>} : memref<4x128xi32, #tpu.memory_space<vmem>>, vector<16xi32>,
    %and3A_181 = arith.constant 3 : i32
    %and3A_182 = vector.broadcast %and3A_181 : i32 to vector<16xi32>
    %and3A_183 = arith.andi %iota3A, %and3A_182 : vector<16xi32>
    %shift_right_arithmetic3A_184 = arith.constant 2 : i32
    %shift_right_arithmetic3A_185 = vector.broadcast %shift_right_arithmetic3A_184 : i32 to vector<16xi32>
    %shift_right_arithmetic3A_186 = arith.shrsi %iota3A, %shift_right_arithmetic3A_185 : vector<16xi32>
    %add3A_187 = arith.constant 4 : i32
    %add3A_188 = vector.broadcast %add3A_187 : i32 to vector<16xi32>
    %add3A_189 = arith.addi %add3A_188, %shift_right_arithmetic3A_186 : vector<16xi32>
    %gather3A_190 = tpu.vector_load_idx %arg8[%and3A_183, %add3A_189] : memref<4x128xi32, #tpu.memory_space<vmem>>[vector<16xi32>, vector<16xi32>], vector<16xi32>,
    %sub3A_191 = arith.constant 1 : i32
    %sub3A_192 = vector.broadcast %sub3A_191 : i32 to vector<16xi32>
    %sub3A_193 = arith.subi %gather3A_190, %sub3A_192 : vector<16xi32>
    %swap3A_194 = arith.constant 0 : i32
    %swap3A_195 = arith.index_cast %swap3A_194 : i32 to index
    %swap3A_196 = arith.constant 16 : index
    %swap3A_197 = tpu.vector_load %arg10[%swap3A_195, %swap3A_196] {strides = array<i32>} : memref<4x128xi32, #tpu.memory_space<vmem>>, vector<16xi32>,
    tpu.vector_store %arg10[%swap3A_195, %swap3A_196], %sub3A_193 {strides = array<i32>} : memref<4x128xi32, #tpu.memory_space<vmem>>, vector<16xi32>,
    %gather3A_198 = tpu.vector_load_idx %arg9[%and3A_183, %add3A_189] : memref<4x128xi32, #tpu.memory_space<vmem>>[vector<16xi32>, vector<16xi32>], vector<16xi32>,
    %sub3A_199 = arith.constant 1 : i32
    %sub3A_200 = vector.broadcast %sub3A_199 : i32 to vector<16xi32>
    %sub3A_201 = arith.subi %gather3A_198, %sub3A_200 : vector<16xi32>
    %swap3A_202 = arith.constant 0 : i32
    %swap3A_203 = arith.index_cast %swap3A_202 : i32 to index
    %swap3A_204 = arith.constant 16 : index
    %swap3A_205 = tpu.vector_load %arg11[%swap3A_203, %swap3A_204] {strides = array<i32>} : memref<4x128xi32, #tpu.memory_space<vmem>>, vector<16xi32>,
    tpu.vector_store %arg11[%swap3A_203, %swap3A_204], %sub3A_201 {strides = array<i32>} : memref<4x128xi32, #tpu.memory_space<vmem>>, vector<16xi32>,
    %and3A_206 = arith.constant 3 : i32
    %and3A_207 = vector.broadcast %and3A_206 : i32 to vector<16xi32>
    %and3A_208 = arith.andi %iota3A, %and3A_207 : vector<16xi32>
    %shift_right_arithmetic3A_209 = arith.constant 2 : i32
    %shift_right_arithmetic3A_210 = vector.broadcast %shift_right_arithmetic3A_209 : i32 to vector<16xi32>
    %shift_right_arithmetic3A_211 = arith.shrsi %iota3A, %shift_right_arithmetic3A_210 : vector<16xi32>
    %add3A_212 = arith.constant 8 : i32
    %add3A_213 = vector.broadcast %add3A_212 : i32 to vector<16xi32>
    %add3A_214 = arith.addi %add3A_213, %shift_right_arithmetic3A_211 : vector<16xi32>
    %gather3A_215 = tpu.vector_load_idx %arg8[%and3A_208, %add3A_214] : memref<4x128xi32, #tpu.memory_space<vmem>>[vector<16xi32>, vector<16xi32>], vector<16xi32>,
    %sub3A_216 = arith.constant 1 : i32
    %sub3A_217 = vector.broadcast %sub3A_216 : i32 to vector<16xi32>
    %sub3A_218 = arith.subi %gather3A_215, %sub3A_217 : vector<16xi32>
    %swap3A_219 = arith.constant 0 : i32
    %swap3A_220 = arith.index_cast %swap3A_219 : i32 to index
    %swap3A_221 = arith.constant 32 : index
    %swap3A_222 = tpu.vector_load %arg10[%swap3A_220, %swap3A_221] {strides = array<i32>} : memref<4x128xi32, #tpu.memory_space<vmem>>, vector<16xi32>,
    tpu.vector_store %arg10[%swap3A_220, %swap3A_221], %sub3A_218 {strides = array<i32>} : memref<4x128xi32, #tpu.memory_space<vmem>>, vector<16xi32>,
    %gather3A_223 = tpu.vector_load_idx %arg9[%and3A_208, %add3A_214] : memref<4x128xi32, #tpu.memory_space<vmem>>[vector<16xi32>, vector<16xi32>], vector<16xi32>,
    %sub3A_224 = arith.constant 1 : i32
    %sub3A_225 = vector.broadcast %sub3A_224 : i32 to vector<16xi32>
    %sub3A_226 = arith.subi %gather3A_223, %sub3A_225 : vector<16xi32>
    %swap3A_227 = arith.constant 0 : i32
    %swap3A_228 = arith.index_cast %swap3A_227 : i32 to index
    %swap3A_229 = arith.constant 32 : index
    %swap3A_230 = tpu.vector_load %arg11[%swap3A_228, %swap3A_229] {strides = array<i32>} : memref<4x128xi32, #tpu.memory_space<vmem>>, vector<16xi32>,
    tpu.vector_store %arg11[%swap3A_228, %swap3A_229], %sub3A_226 {strides = array<i32>} : memref<4x128xi32, #tpu.memory_space<vmem>>, vector<16xi32>,
    %and3A_231 = arith.constant 3 : i32
    %and3A_232 = vector.broadcast %and3A_231 : i32 to vector<16xi32>
    %and3A_233 = arith.andi %iota3A, %and3A_232 : vector<16xi32>
    %shift_right_arithmetic3A_234 = arith.constant 2 : i32
    %shift_right_arithmetic3A_235 = vector.broadcast %shift_right_arithmetic3A_234 : i32 to vector<16xi32>
    %shift_right_arithmetic3A_236 = arith.shrsi %iota3A, %shift_right_arithmetic3A_235 : vector<16xi32>
    %add3A_237 = arith.constant 12 : i32
    %add3A_238 = vector.broadcast %add3A_237 : i32 to vector<16xi32>
    %add3A_239 = arith.addi %add3A_238, %shift_right_arithmetic3A_236 : vector<16xi32>
    %gather3A_240 = tpu.vector_load_idx %arg8[%and3A_233, %add3A_239] : memref<4x128xi32, #tpu.memory_space<vmem>>[vector<16xi32>, vector<16xi32>], vector<16xi32>,
    %sub3A_241 = arith.constant 1 : i32
    %sub3A_242 = vector.broadcast %sub3A_241 : i32 to vector<16xi32>
    %sub3A_243 = arith.subi %gather3A_240, %sub3A_242 : vector<16xi32>
    %swap3A_244 = arith.constant 0 : i32
    %swap3A_245 = arith.index_cast %swap3A_244 : i32 to index
    %swap3A_246 = arith.constant 48 : index
    %swap3A_247 = tpu.vector_load %arg10[%swap3A_245, %swap3A_246] {strides = array<i32>} : memref<4x128xi32, #tpu.memory_space<vmem>>, vector<16xi32>,
    tpu.vector_store %arg10[%swap3A_245, %swap3A_246], %sub3A_243 {strides = array<i32>} : memref<4x128xi32, #tpu.memory_space<vmem>>, vector<16xi32>,
    %gather3A_248 = tpu.vector_load_idx %arg9[%and3A_233, %add3A_239] : memref<4x128xi32, #tpu.memory_space<vmem>>[vector<16xi32>, vector<16xi32>], vector<16xi32>,
    %sub3A_249 = arith.constant 1 : i32
    %sub3A_250 = vector.broadcast %sub3A_249 : i32 to vector<16xi32>
    %sub3A_251 = arith.subi %gather3A_248, %sub3A_250 : vector<16xi32>
    %swap3A_252 = arith.constant 0 : i32
    %swap3A_253 = arith.index_cast %swap3A_252 : i32 to index
    %swap3A_254 = arith.constant 48 : index
    %swap3A_255 = tpu.vector_load %arg11[%swap3A_253, %swap3A_254] {strides = array<i32>} : memref<4x128xi32, #tpu.memory_space<vmem>>, vector<16xi32>,
    tpu.vector_store %arg11[%swap3A_253, %swap3A_254], %sub3A_251 {strides = array<i32>} : memref<4x128xi32, #tpu.memory_space<vmem>>, vector<16xi32>,
    %and3A_256 = arith.constant 3 : i32
    %and3A_257 = vector.broadcast %and3A_256 : i32 to vector<16xi32>
    %and3A_258 = arith.andi %iota3A, %and3A_257 : vector<16xi32>
    %shift_right_arithmetic3A_259 = arith.constant 2 : i32
    %shift_right_arithmetic3A_260 = vector.broadcast %shift_right_arithmetic3A_259 : i32 to vector<16xi32>
    %shift_right_arithmetic3A_261 = arith.shrsi %iota3A, %shift_right_arithmetic3A_260 : vector<16xi32>
    %add3A_262 = arith.constant 16 : i32
    %add3A_263 = vector.broadcast %add3A_262 : i32 to vector<16xi32>
    %add3A_264 = arith.addi %add3A_263, %shift_right_arithmetic3A_261 : vector<16xi32>
    %gather3A_265 = tpu.vector_load_idx %arg8[%and3A_258, %add3A_264] : memref<4x128xi32, #tpu.memory_space<vmem>>[vector<16xi32>, vector<16xi32>], vector<16xi32>,
    %sub3A_266 = arith.constant 1 : i32
    %sub3A_267 = vector.broadcast %sub3A_266 : i32 to vector<16xi32>
    %sub3A_268 = arith.subi %gather3A_265, %sub3A_267 : vector<16xi32>
    %swap3A_269 = arith.constant 0 : i32
    %swap3A_270 = arith.index_cast %swap3A_269 : i32 to index
    %swap3A_271 = arith.constant 64 : index
    %swap3A_272 = tpu.vector_load %arg10[%swap3A_270, %swap3A_271] {strides = array<i32>} : memref<4x128xi32, #tpu.memory_space<vmem>>, vector<16xi32>,
    tpu.vector_store %arg10[%swap3A_270, %swap3A_271], %sub3A_268 {strides = array<i32>} : memref<4x128xi32, #tpu.memory_space<vmem>>, vector<16xi32>,
    %gather3A_273 = tpu.vector_load_idx %arg9[%and3A_258, %add3A_264] : memref<4x128xi32, #tpu.memory_space<vmem>>[vector<16xi32>, vector<16xi32>], vector<16xi32>,
    %sub3A_274 = arith.constant 1 : i32
    %sub3A_275 = vector.broadcast %sub3A_274 : i32 to vector<16xi32>
    %sub3A_276 = arith.subi %gather3A_273, %sub3A_275 : vector<16xi32>
    %swap3A_277 = arith.constant 0 : i32
    %swap3A_278 = arith.index_cast %swap3A_277 : i32 to index
    %swap3A_279 = arith.constant 64 : index
    %swap3A_280 = tpu.vector_load %arg11[%swap3A_278, %swap3A_279] {strides = array<i32>} : memref<4x128xi32, #tpu.memory_space<vmem>>, vector<16xi32>,
    tpu.vector_store %arg11[%swap3A_278, %swap3A_279], %sub3A_276 {strides = array<i32>} : memref<4x128xi32, #tpu.memory_space<vmem>>, vector<16xi32>,
    %and3A_281 = arith.constant 3 : i32
    %and3A_282 = vector.broadcast %and3A_281 : i32 to vector<16xi32>
    %and3A_283 = arith.andi %iota3A, %and3A_282 : vector<16xi32>
    %shift_right_arithmetic3A_284 = arith.constant 2 : i32
    %shift_right_arithmetic3A_285 = vector.broadcast %shift_right_arithmetic3A_284 : i32 to vector<16xi32>
    %shift_right_arithmetic3A_286 = arith.shrsi %iota3A, %shift_right_arithmetic3A_285 : vector<16xi32>
    %add3A_287 = arith.constant 20 : i32
    %add3A_288 = vector.broadcast %add3A_287 : i32 to vector<16xi32>
    %add3A_289 = arith.addi %add3A_288, %shift_right_arithmetic3A_286 : vector<16xi32>
    %gather3A_290 = tpu.vector_load_idx %arg8[%and3A_283, %add3A_289] : memref<4x128xi32, #tpu.memory_space<vmem>>[vector<16xi32>, vector<16xi32>], vector<16xi32>,
    %sub3A_291 = arith.constant 1 : i32
    %sub3A_292 = vector.broadcast %sub3A_291 : i32 to vector<16xi32>
    %sub3A_293 = arith.subi %gather3A_290, %sub3A_292 : vector<16xi32>
    %swap3A_294 = arith.constant 0 : i32
    %swap3A_295 = arith.index_cast %swap3A_294 : i32 to index
    %swap3A_296 = arith.constant 80 : index
    %swap3A_297 = tpu.vector_load %arg10[%swap3A_295, %swap3A_296] {strides = array<i32>} : memref<4x128xi32, #tpu.memory_space<vmem>>, vector<16xi32>,
    tpu.vector_store %arg10[%swap3A_295, %swap3A_296], %sub3A_293 {strides = array<i32>} : memref<4x128xi32, #tpu.memory_space<vmem>>, vector<16xi32>,
    %gather3A_298 = tpu.vector_load_idx %arg9[%and3A_283, %add3A_289] : memref<4x128xi32, #tpu.memory_space<vmem>>[vector<16xi32>, vector<16xi32>], vector<16xi32>,
    %sub3A_299 = arith.constant 1 : i32
    %sub3A_300 = vector.broadcast %sub3A_299 : i32 to vector<16xi32>
    %sub3A_301 = arith.subi %gather3A_298, %sub3A_300 : vector<16xi32>
    %swap3A_302 = arith.constant 0 : i32
    %swap3A_303 = arith.index_cast %swap3A_302 : i32 to index
    %swap3A_304 = arith.constant 80 : index
    %swap3A_305 = tpu.vector_load %arg11[%swap3A_303, %swap3A_304] {strides = array<i32>} : memref<4x128xi32, #tpu.memory_space<vmem>>, vector<16xi32>,
    tpu.vector_store %arg11[%swap3A_303, %swap3A_304], %sub3A_301 {strides = array<i32>} : memref<4x128xi32, #tpu.memory_space<vmem>>, vector<16xi32>,
    %and3A_306 = arith.constant 3 : i32
    %and3A_307 = vector.broadcast %and3A_306 : i32 to vector<16xi32>
    %and3A_308 = arith.andi %iota3A, %and3A_307 : vector<16xi32>
    %shift_right_arithmetic3A_309 = arith.constant 2 : i32
    %shift_right_arithmetic3A_310 = vector.broadcast %shift_right_arithmetic3A_309 : i32 to vector<16xi32>
    %shift_right_arithmetic3A_311 = arith.shrsi %iota3A, %shift_right_arithmetic3A_310 : vector<16xi32>
    %add3A_312 = arith.constant 24 : i32
    %add3A_313 = vector.broadcast %add3A_312 : i32 to vector<16xi32>
    %add3A_314 = arith.addi %add3A_313, %shift_right_arithmetic3A_311 : vector<16xi32>
    %gather3A_315 = tpu.vector_load_idx %arg8[%and3A_308, %add3A_314] : memref<4x128xi32, #tpu.memory_space<vmem>>[vector<16xi32>, vector<16xi32>], vector<16xi32>,
    %sub3A_316 = arith.constant 1 : i32
    %sub3A_317 = vector.broadcast %sub3A_316 : i32 to vector<16xi32>
    %sub3A_318 = arith.subi %gather3A_315, %sub3A_317 : vector<16xi32>
    %swap3A_319 = arith.constant 0 : i32
    %swap3A_320 = arith.index_cast %swap3A_319 : i32 to index
    %swap3A_321 = arith.constant 96 : index
    %swap3A_322 = tpu.vector_load %arg10[%swap3A_320, %swap3A_321] {strides = array<i32>} : memref<4x128xi32, #tpu.memory_space<vmem>>, vector<16xi32>,
    tpu.vector_store %arg10[%swap3A_320, %swap3A_321], %sub3A_318 {strides = array<i32>} : memref<4x128xi32, #tpu.memory_space<vmem>>, vector<16xi32>,
    %gather3A_323 = tpu.vector_load_idx %arg9[%and3A_308, %add3A_314] : memref<4x128xi32, #tpu.memory_space<vmem>>[vector<16xi32>, vector<16xi32>], vector<16xi32>,
    %sub3A_324 = arith.constant 1 : i32
    %sub3A_325 = vector.broadcast %sub3A_324 : i32 to vector<16xi32>
    %sub3A_326 = arith.subi %gather3A_323, %sub3A_325 : vector<16xi32>
    %swap3A_327 = arith.constant 0 : i32
    %swap3A_328 = arith.index_cast %swap3A_327 : i32 to index
    %swap3A_329 = arith.constant 96 : index
    %swap3A_330 = tpu.vector_load %arg11[%swap3A_328, %swap3A_329] {strides = array<i32>} : memref<4x128xi32, #tpu.memory_space<vmem>>, vector<16xi32>,
    tpu.vector_store %arg11[%swap3A_328, %swap3A_329], %sub3A_326 {strides = array<i32>} : memref<4x128xi32, #tpu.memory_space<vmem>>, vector<16xi32>,
    %and3A_331 = arith.constant 3 : i32
    %and3A_332 = vector.broadcast %and3A_331 : i32 to vector<16xi32>
    %and3A_333 = arith.andi %iota3A, %and3A_332 : vector<16xi32>
    %shift_right_arithmetic3A_334 = arith.constant 2 : i32
    %shift_right_arithmetic3A_335 = vector.broadcast %shift_right_arithmetic3A_334 : i32 to vector<16xi32>
    %shift_right_arithmetic3A_336 = arith.shrsi %iota3A, %shift_right_arithmetic3A_335 : vector<16xi32>
    %add3A_337 = arith.constant 28 : i32
    %add3A_338 = vector.broadcast %add3A_337 : i32 to vector<16xi32>
    %add3A_339 = arith.addi %add3A_338, %shift_right_arithmetic3A_336 : vector<16xi32>
    %gather3A_340 = tpu.vector_load_idx %arg8[%and3A_333, %add3A_339] : memref<4x128xi32, #tpu.memory_space<vmem>>[vector<16xi32>, vector<16xi32>], vector<16xi32>,
    %sub3A_341 = arith.constant 1 : i32
    %sub3A_342 = vector.broadcast %sub3A_341 : i32 to vector<16xi32>
    %sub3A_343 = arith.subi %gather3A_340, %sub3A_342 : vector<16xi32>
    %swap3A_344 = arith.constant 0 : i32
    %swap3A_345 = arith.index_cast %swap3A_344 : i32 to index
    %swap3A_346 = arith.constant 112 : index
    %swap3A_347 = tpu.vector_load %arg10[%swap3A_345, %swap3A_346] {strides = array<i32>} : memref<4x128xi32, #tpu.memory_space<vmem>>, vector<16xi32>,
    tpu.vector_store %arg10[%swap3A_345, %swap3A_346], %sub3A_343 {strides = array<i32>} : memref<4x128xi32, #tpu.memory_space<vmem>>, vector<16xi32>,
    %gather3A_348 = tpu.vector_load_idx %arg9[%and3A_333, %add3A_339] : memref<4x128xi32, #tpu.memory_space<vmem>>[vector<16xi32>, vector<16xi32>], vector<16xi32>,
    %sub3A_349 = arith.constant 1 : i32
    %sub3A_350 = vector.broadcast %sub3A_349 : i32 to vector<16xi32>
    %sub3A_351 = arith.subi %gather3A_348, %sub3A_350 : vector<16xi32>
    %swap3A_352 = arith.constant 0 : i32
    %swap3A_353 = arith.index_cast %swap3A_352 : i32 to index
    %swap3A_354 = arith.constant 112 : index
    %swap3A_355 = tpu.vector_load %arg11[%swap3A_353, %swap3A_354] {strides = array<i32>} : memref<4x128xi32, #tpu.memory_space<vmem>>, vector<16xi32>,
    tpu.vector_store %arg11[%swap3A_353, %swap3A_354], %sub3A_351 {strides = array<i32>} : memref<4x128xi32, #tpu.memory_space<vmem>>, vector<16xi32>,
    %and3A_356 = arith.constant 3 : i32
    %and3A_357 = vector.broadcast %and3A_356 : i32 to vector<16xi32>
    %and3A_358 = arith.andi %iota3A, %and3A_357 : vector<16xi32>
    %shift_right_arithmetic3A_359 = arith.constant 2 : i32
    %shift_right_arithmetic3A_360 = vector.broadcast %shift_right_arithmetic3A_359 : i32 to vector<16xi32>
    %shift_right_arithmetic3A_361 = arith.shrsi %iota3A, %shift_right_arithmetic3A_360 : vector<16xi32>
    %add3A_362 = arith.constant 32 : i32
    %add3A_363 = vector.broadcast %add3A_362 : i32 to vector<16xi32>
    %add3A_364 = arith.addi %add3A_363, %shift_right_arithmetic3A_361 : vector<16xi32>
    %gather3A_365 = tpu.vector_load_idx %arg8[%and3A_358, %add3A_364] : memref<4x128xi32, #tpu.memory_space<vmem>>[vector<16xi32>, vector<16xi32>], vector<16xi32>,
    %sub3A_366 = arith.constant 1 : i32
    %sub3A_367 = vector.broadcast %sub3A_366 : i32 to vector<16xi32>
    %sub3A_368 = arith.subi %gather3A_365, %sub3A_367 : vector<16xi32>
    %swap3A_369 = arith.constant 1 : i32
    %swap3A_370 = arith.index_cast %swap3A_369 : i32 to index
    %swap3A_371 = arith.constant 0 : index
    %swap3A_372 = tpu.vector_load %arg10[%swap3A_370, %swap3A_371] {strides = array<i32>} : memref<4x128xi32, #tpu.memory_space<vmem>>, vector<16xi32>,
    tpu.vector_store %arg10[%swap3A_370, %swap3A_371], %sub3A_368 {strides = array<i32>} : memref<4x128xi32, #tpu.memory_space<vmem>>, vector<16xi32>,
    %gather3A_373 = tpu.vector_load_idx %arg9[%and3A_358, %add3A_364] : memref<4x128xi32, #tpu.memory_space<vmem>>[vector<16xi32>, vector<16xi32>], vector<16xi32>,
    %sub3A_374 = arith.constant 1 : i32
    %sub3A_375 = vector.broadcast %sub3A_374 : i32 to vector<16xi32>
    %sub3A_376 = arith.subi %gather3A_373, %sub3A_375 : vector<16xi32>
    %swap3A_377 = arith.constant 1 : i32
    %swap3A_378 = arith.index_cast %swap3A_377 : i32 to index
    %swap3A_379 = arith.constant 0 : index
    %swap3A_380 = tpu.vector_load %arg11[%swap3A_378, %swap3A_379] {strides = array<i32>} : memref<4x128xi32, #tpu.memory_space<vmem>>, vector<16xi32>,
    tpu.vector_store %arg11[%swap3A_378, %swap3A_379], %sub3A_376 {strides = array<i32>} : memref<4x128xi32, #tpu.memory_space<vmem>>, vector<16xi32>,
    %and3A_381 = arith.constant 3 : i32
    %and3A_382 = vector.broadcast %and3A_381 : i32 to vector<16xi32>
    %and3A_383 = arith.andi %iota3A, %and3A_382 : vector<16xi32>
    %shift_right_arithmetic3A_384 = arith.constant 2 : i32
    %shift_right_arithmetic3A_385 = vector.broadcast %shift_right_arithmetic3A_384 : i32 to vector<16xi32>
    %shift_right_arithmetic3A_386 = arith.shrsi %iota3A, %shift_right_arithmetic3A_385 : vector<16xi32>
    %add3A_387 = arith.constant 36 : i32
    %add3A_388 = vector.broadcast %add3A_387 : i32 to vector<16xi32>
    %add3A_389 = arith.addi %add3A_388, %shift_right_arithmetic3A_386 : vector<16xi32>
    %gather3A_390 = tpu.vector_load_idx %arg8[%and3A_383, %add3A_389] : memref<4x128xi32, #tpu.memory_space<vmem>>[vector<16xi32>, vector<16xi32>], vector<16xi32>,
    %sub3A_391 = arith.constant 1 : i32
    %sub3A_392 = vector.broadcast %sub3A_391 : i32 to vector<16xi32>
    %sub3A_393 = arith.subi %gather3A_390, %sub3A_392 : vector<16xi32>
    %swap3A_394 = arith.constant 1 : i32
    %swap3A_395 = arith.index_cast %swap3A_394 : i32 to index
    %swap3A_396 = arith.constant 16 : index
    %swap3A_397 = tpu.vector_load %arg10[%swap3A_395, %swap3A_396] {strides = array<i32>} : memref<4x128xi32, #tpu.memory_space<vmem>>, vector<16xi32>,
    tpu.vector_store %arg10[%swap3A_395, %swap3A_396], %sub3A_393 {strides = array<i32>} : memref<4x128xi32, #tpu.memory_space<vmem>>, vector<16xi32>,
    %gather3A_398 = tpu.vector_load_idx %arg9[%and3A_383, %add3A_389] : memref<4x128xi32, #tpu.memory_space<vmem>>[vector<16xi32>, vector<16xi32>], vector<16xi32>,
    %sub3A_399 = arith.constant 1 : i32
    %sub3A_400 = vector.broadcast %sub3A_399 : i32 to vector<16xi32>
    %sub3A_401 = arith.subi %gather3A_398, %sub3A_400 : vector<16xi32>
    %swap3A_402 = arith.constant 1 : i32
    %swap3A_403 = arith.index_cast %swap3A_402 : i32 to index
    %swap3A_404 = arith.constant 16 : index
    %swap3A_405 = tpu.vector_load %arg11[%swap3A_403, %swap3A_404] {strides = array<i32>} : memref<4x128xi32, #tpu.memory_space<vmem>>, vector<16xi32>,
    tpu.vector_store %arg11[%swap3A_403, %swap3A_404], %sub3A_401 {strides = array<i32>} : memref<4x128xi32, #tpu.memory_space<vmem>>, vector<16xi32>,
    %and3A_406 = arith.constant 3 : i32
    %and3A_407 = vector.broadcast %and3A_406 : i32 to vector<16xi32>
    %and3A_408 = arith.andi %iota3A, %and3A_407 : vector<16xi32>
    %shift_right_arithmetic3A_409 = arith.constant 2 : i32
    %shift_right_arithmetic3A_410 = vector.broadcast %shift_right_arithmetic3A_409 : i32 to vector<16xi32>
    %shift_right_arithmetic3A_411 = arith.shrsi %iota3A, %shift_right_arithmetic3A_410 : vector<16xi32>
    %add3A_412 = arith.constant 40 : i32
    %add3A_413 = vector.broadcast %add3A_412 : i32 to vector<16xi32>
    %add3A_414 = arith.addi %add3A_413, %shift_right_arithmetic3A_411 : vector<16xi32>
    %gather3A_415 = tpu.vector_load_idx %arg8[%and3A_408, %add3A_414] : memref<4x128xi32, #tpu.memory_space<vmem>>[vector<16xi32>, vector<16xi32>], vector<16xi32>,
    %sub3A_416 = arith.constant 1 : i32
    %sub3A_417 = vector.broadcast %sub3A_416 : i32 to vector<16xi32>
    %sub3A_418 = arith.subi %gather3A_415, %sub3A_417 : vector<16xi32>
    %swap3A_419 = arith.constant 1 : i32
    %swap3A_420 = arith.index_cast %swap3A_419 : i32 to index
    %swap3A_421 = arith.constant 32 : index
    %swap3A_422 = tpu.vector_load %arg10[%swap3A_420, %swap3A_421] {strides = array<i32>} : memref<4x128xi32, #tpu.memory_space<vmem>>, vector<16xi32>,
    tpu.vector_store %arg10[%swap3A_420, %swap3A_421], %sub3A_418 {strides = array<i32>} : memref<4x128xi32, #tpu.memory_space<vmem>>, vector<16xi32>,
    %gather3A_423 = tpu.vector_load_idx %arg9[%and3A_408, %add3A_414] : memref<4x128xi32, #tpu.memory_space<vmem>>[vector<16xi32>, vector<16xi32>], vector<16xi32>,
    %sub3A_424 = arith.constant 1 : i32
    %sub3A_425 = vector.broadcast %sub3A_424 : i32 to vector<16xi32>
    %sub3A_426 = arith.subi %gather3A_423, %sub3A_425 : vector<16xi32>
    %swap3A_427 = arith.constant 1 : i32
    %swap3A_428 = arith.index_cast %swap3A_427 : i32 to index
    %swap3A_429 = arith.constant 32 : index
    %swap3A_430 = tpu.vector_load %arg11[%swap3A_428, %swap3A_429] {strides = array<i32>} : memref<4x128xi32, #tpu.memory_space<vmem>>, vector<16xi32>,
    tpu.vector_store %arg11[%swap3A_428, %swap3A_429], %sub3A_426 {strides = array<i32>} : memref<4x128xi32, #tpu.memory_space<vmem>>, vector<16xi32>,
    %and3A_431 = arith.constant 3 : i32
    %and3A_432 = vector.broadcast %and3A_431 : i32 to vector<16xi32>
    %and3A_433 = arith.andi %iota3A, %and3A_432 : vector<16xi32>
    %shift_right_arithmetic3A_434 = arith.constant 2 : i32
    %shift_right_arithmetic3A_435 = vector.broadcast %shift_right_arithmetic3A_434 : i32 to vector<16xi32>
    %shift_right_arithmetic3A_436 = arith.shrsi %iota3A, %shift_right_arithmetic3A_435 : vector<16xi32>
    %add3A_437 = arith.constant 44 : i32
    %add3A_438 = vector.broadcast %add3A_437 : i32 to vector<16xi32>
    %add3A_439 = arith.addi %add3A_438, %shift_right_arithmetic3A_436 : vector<16xi32>
    %gather3A_440 = tpu.vector_load_idx %arg8[%and3A_433, %add3A_439] : memref<4x128xi32, #tpu.memory_space<vmem>>[vector<16xi32>, vector<16xi32>], vector<16xi32>,
    %sub3A_441 = arith.constant 1 : i32
    %sub3A_442 = vector.broadcast %sub3A_441 : i32 to vector<16xi32>
    %sub3A_443 = arith.subi %gather3A_440, %sub3A_442 : vector<16xi32>
    %swap3A_444 = arith.constant 1 : i32
    %swap3A_445 = arith.index_cast %swap3A_444 : i32 to index
    %swap3A_446 = arith.constant 48 : index
    %swap3A_447 = tpu.vector_load %arg10[%swap3A_445, %swap3A_446] {strides = array<i32>} : memref<4x128xi32, #tpu.memory_space<vmem>>, vector<16xi32>,
    tpu.vector_store %arg10[%swap3A_445, %swap3A_446], %sub3A_443 {strides = array<i32>} : memref<4x128xi32, #tpu.memory_space<vmem>>, vector<16xi32>,
    %gather3A_448 = tpu.vector_load_idx %arg9[%and3A_433, %add3A_439] : memref<4x128xi32, #tpu.memory_space<vmem>>[vector<16xi32>, vector<16xi32>], vector<16xi32>,
    %sub3A_449 = arith.constant 1 : i32
    %sub3A_450 = vector.broadcast %sub3A_449 : i32 to vector<16xi32>
    %sub3A_451 = arith.subi %gather3A_448, %sub3A_450 : vector<16xi32>
    %swap3A_452 = arith.constant 1 : i32
    %swap3A_453 = arith.index_cast %swap3A_452 : i32 to index
    %swap3A_454 = arith.constant 48 : index
    %swap3A_455 = tpu.vector_load %arg11[%swap3A_453, %swap3A_454] {strides = array<i32>} : memref<4x128xi32, #tpu.memory_space<vmem>>, vector<16xi32>,
    tpu.vector_store %arg11[%swap3A_453, %swap3A_454], %sub3A_451 {strides = array<i32>} : memref<4x128xi32, #tpu.memory_space<vmem>>, vector<16xi32>,
    %and3A_456 = arith.constant 3 : i32
    %and3A_457 = vector.broadcast %and3A_456 : i32 to vector<16xi32>
    %and3A_458 = arith.andi %iota3A, %and3A_457 : vector<16xi32>
    %shift_right_arithmetic3A_459 = arith.constant 2 : i32
    %shift_right_arithmetic3A_460 = vector.broadcast %shift_right_arithmetic3A_459 : i32 to vector<16xi32>
    %shift_right_arithmetic3A_461 = arith.shrsi %iota3A, %shift_right_arithmetic3A_460 : vector<16xi32>
    %add3A_462 = arith.constant 48 : i32
    %add3A_463 = vector.broadcast %add3A_462 : i32 to vector<16xi32>
    %add3A_464 = arith.addi %add3A_463, %shift_right_arithmetic3A_461 : vector<16xi32>
    %gather3A_465 = tpu.vector_load_idx %arg8[%and3A_458, %add3A_464] : memref<4x128xi32, #tpu.memory_space<vmem>>[vector<16xi32>, vector<16xi32>], vector<16xi32>,
    %sub3A_466 = arith.constant 1 : i32
    %sub3A_467 = vector.broadcast %sub3A_466 : i32 to vector<16xi32>
    %sub3A_468 = arith.subi %gather3A_465, %sub3A_467 : vector<16xi32>
    %swap3A_469 = arith.constant 1 : i32
    %swap3A_470 = arith.index_cast %swap3A_469 : i32 to index
    %swap3A_471 = arith.constant 64 : index
    %swap3A_472 = tpu.vector_load %arg10[%swap3A_470, %swap3A_471] {strides = array<i32>} : memref<4x128xi32, #tpu.memory_space<vmem>>, vector<16xi32>,
    tpu.vector_store %arg10[%swap3A_470, %swap3A_471], %sub3A_468 {strides = array<i32>} : memref<4x128xi32, #tpu.memory_space<vmem>>, vector<16xi32>,
    %gather3A_473 = tpu.vector_load_idx %arg9[%and3A_458, %add3A_464] : memref<4x128xi32, #tpu.memory_space<vmem>>[vector<16xi32>, vector<16xi32>], vector<16xi32>,
    %sub3A_474 = arith.constant 1 : i32
    %sub3A_475 = vector.broadcast %sub3A_474 : i32 to vector<16xi32>
    %sub3A_476 = arith.subi %gather3A_473, %sub3A_475 : vector<16xi32>
    %swap3A_477 = arith.constant 1 : i32
    %swap3A_478 = arith.index_cast %swap3A_477 : i32 to index
    %swap3A_479 = arith.constant 64 : index
    %swap3A_480 = tpu.vector_load %arg11[%swap3A_478, %swap3A_479] {strides = array<i32>} : memref<4x128xi32, #tpu.memory_space<vmem>>, vector<16xi32>,
    tpu.vector_store %arg11[%swap3A_478, %swap3A_479], %sub3A_476 {strides = array<i32>} : memref<4x128xi32, #tpu.memory_space<vmem>>, vector<16xi32>,
    %and3A_481 = arith.constant 3 : i32
    %and3A_482 = vector.broadcast %and3A_481 : i32 to vector<16xi32>
    %and3A_483 = arith.andi %iota3A, %and3A_482 : vector<16xi32>
    %shift_right_arithmetic3A_484 = arith.constant 2 : i32
    %shift_right_arithmetic3A_485 = vector.broadcast %shift_right_arithmetic3A_484 : i32 to vector<16xi32>
    %shift_right_arithmetic3A_486 = arith.shrsi %iota3A, %shift_right_arithmetic3A_485 : vector<16xi32>
    %add3A_487 = arith.constant 52 : i32
    %add3A_488 = vector.broadcast %add3A_487 : i32 to vector<16xi32>
    %add3A_489 = arith.addi %add3A_488, %shift_right_arithmetic3A_486 : vector<16xi32>
    %gather3A_490 = tpu.vector_load_idx %arg8[%and3A_483, %add3A_489] : memref<4x128xi32, #tpu.memory_space<vmem>>[vector<16xi32>, vector<16xi32>], vector<16xi32>,
    %sub3A_491 = arith.constant 1 : i32
    %sub3A_492 = vector.broadcast %sub3A_491 : i32 to vector<16xi32>
    %sub3A_493 = arith.subi %gather3A_490, %sub3A_492 : vector<16xi32>
    %swap3A_494 = arith.constant 1 : i32
    %swap3A_495 = arith.index_cast %swap3A_494 : i32 to index
    %swap3A_496 = arith.constant 80 : index
    %swap3A_497 = tpu.vector_load %arg10[%swap3A_495, %swap3A_496] {strides = array<i32>} : memref<4x128xi32, #tpu.memory_space<vmem>>, vector<16xi32>,
    tpu.vector_store %arg10[%swap3A_495, %swap3A_496], %sub3A_493 {strides = array<i32>} : memref<4x128xi32, #tpu.memory_space<vmem>>, vector<16xi32>,
    %gather3A_498 = tpu.vector_load_idx %arg9[%and3A_483, %add3A_489] : memref<4x128xi32, #tpu.memory_space<vmem>>[vector<16xi32>, vector<16xi32>], vector<16xi32>,
    %sub3A_499 = arith.constant 1 : i32
    %sub3A_500 = vector.broadcast %sub3A_499 : i32 to vector<16xi32>
    %sub3A_501 = arith.subi %gather3A_498, %sub3A_500 : vector<16xi32>
    %swap3A_502 = arith.constant 1 : i32
    %swap3A_503 = arith.index_cast %swap3A_502 : i32 to index
    %swap3A_504 = arith.constant 80 : index
    %swap3A_505 = tpu.vector_load %arg11[%swap3A_503, %swap3A_504] {strides = array<i32>} : memref<4x128xi32, #tpu.memory_space<vmem>>, vector<16xi32>,
    tpu.vector_store %arg11[%swap3A_503, %swap3A_504], %sub3A_501 {strides = array<i32>} : memref<4x128xi32, #tpu.memory_space<vmem>>, vector<16xi32>,
    %and3A_506 = arith.constant 3 : i32
    %and3A_507 = vector.broadcast %and3A_506 : i32 to vector<16xi32>
    %and3A_508 = arith.andi %iota3A, %and3A_507 : vector<16xi32>
    %shift_right_arithmetic3A_509 = arith.constant 2 : i32
    %shift_right_arithmetic3A_510 = vector.broadcast %shift_right_arithmetic3A_509 : i32 to vector<16xi32>
    %shift_right_arithmetic3A_511 = arith.shrsi %iota3A, %shift_right_arithmetic3A_510 : vector<16xi32>
    %add3A_512 = arith.constant 56 : i32
    %add3A_513 = vector.broadcast %add3A_512 : i32 to vector<16xi32>
    %add3A_514 = arith.addi %add3A_513, %shift_right_arithmetic3A_511 : vector<16xi32>
    %gather3A_515 = tpu.vector_load_idx %arg8[%and3A_508, %add3A_514] : memref<4x128xi32, #tpu.memory_space<vmem>>[vector<16xi32>, vector<16xi32>], vector<16xi32>,
    %sub3A_516 = arith.constant 1 : i32
    %sub3A_517 = vector.broadcast %sub3A_516 : i32 to vector<16xi32>
    %sub3A_518 = arith.subi %gather3A_515, %sub3A_517 : vector<16xi32>
    %swap3A_519 = arith.constant 1 : i32
    %swap3A_520 = arith.index_cast %swap3A_519 : i32 to index
    %swap3A_521 = arith.constant 96 : index
    %swap3A_522 = tpu.vector_load %arg10[%swap3A_520, %swap3A_521] {strides = array<i32>} : memref<4x128xi32, #tpu.memory_space<vmem>>, vector<16xi32>,
    tpu.vector_store %arg10[%swap3A_520, %swap3A_521], %sub3A_518 {strides = array<i32>} : memref<4x128xi32, #tpu.memory_space<vmem>>, vector<16xi32>,
    %gather3A_523 = tpu.vector_load_idx %arg9[%and3A_508, %add3A_514] : memref<4x128xi32, #tpu.memory_space<vmem>>[vector<16xi32>, vector<16xi32>], vector<16xi32>,
    %sub3A_524 = arith.constant 1 : i32
    %sub3A_525 = vector.broadcast %sub3A_524 : i32 to vector<16xi32>
    %sub3A_526 = arith.subi %gather3A_523, %sub3A_525 : vector<16xi32>
    %swap3A_527 = arith.constant 1 : i32
    %swap3A_528 = arith.index_cast %swap3A_527 : i32 to index
    %swap3A_529 = arith.constant 96 : index
    %swap3A_530 = tpu.vector_load %arg11[%swap3A_528, %swap3A_529] {strides = array<i32>} : memref<4x128xi32, #tpu.memory_space<vmem>>, vector<16xi32>,
    tpu.vector_store %arg11[%swap3A_528, %swap3A_529], %sub3A_526 {strides = array<i32>} : memref<4x128xi32, #tpu.memory_space<vmem>>, vector<16xi32>,
    %and3A_531 = arith.constant 3 : i32
    %and3A_532 = vector.broadcast %and3A_531 : i32 to vector<16xi32>
    %and3A_533 = arith.andi %iota3A, %and3A_532 : vector<16xi32>
    %shift_right_arithmetic3A_534 = arith.constant 2 : i32
    %shift_right_arithmetic3A_535 = vector.broadcast %shift_right_arithmetic3A_534 : i32 to vector<16xi32>
    %shift_right_arithmetic3A_536 = arith.shrsi %iota3A, %shift_right_arithmetic3A_535 : vector<16xi32>
    %add3A_537 = arith.constant 60 : i32
    %add3A_538 = vector.broadcast %add3A_537 : i32 to vector<16xi32>
    %add3A_539 = arith.addi %add3A_538, %shift_right_arithmetic3A_536 : vector<16xi32>
    %gather3A_540 = tpu.vector_load_idx %arg8[%and3A_533, %add3A_539] : memref<4x128xi32, #tpu.memory_space<vmem>>[vector<16xi32>, vector<16xi32>], vector<16xi32>,
    %sub3A_541 = arith.constant 1 : i32
    %sub3A_542 = vector.broadcast %sub3A_541 : i32 to vector<16xi32>
    %sub3A_543 = arith.subi %gather3A_540, %sub3A_542 : vector<16xi32>
    %swap3A_544 = arith.constant 1 : i32
    %swap3A_545 = arith.index_cast %swap3A_544 : i32 to index
    %swap3A_546 = arith.constant 112 : index
    %swap3A_547 = tpu.vector_load %arg10[%swap3A_545, %swap3A_546] {strides = array<i32>} : memref<4x128xi32, #tpu.memory_space<vmem>>, vector<16xi32>,
    tpu.vector_store %arg10[%swap3A_545, %swap3A_546], %sub3A_543 {strides = array<i32>} : memref<4x128xi32, #tpu.memory_space<vmem>>, vector<16xi32>,
    %gather3A_548 = tpu.vector_load_idx %arg9[%and3A_533, %add3A_539] : memref<4x128xi32, #tpu.memory_space<vmem>>[vector<16xi32>, vector<16xi32>], vector<16xi32>,
    %sub3A_549 = arith.constant 1 : i32
    %sub3A_550 = vector.broadcast %sub3A_549 : i32 to vector<16xi32>
    %sub3A_551 = arith.subi %gather3A_548, %sub3A_550 : vector<16xi32>
    %swap3A_552 = arith.constant 1 : i32
    %swap3A_553 = arith.index_cast %swap3A_552 : i32 to index
    %swap3A_554 = arith.constant 112 : index
    %swap3A_555 = tpu.vector_load %arg11[%swap3A_553, %swap3A_554] {strides = array<i32>} : memref<4x128xi32, #tpu.memory_space<vmem>>, vector<16xi32>,
    tpu.vector_store %arg11[%swap3A_553, %swap3A_554], %sub3A_551 {strides = array<i32>} : memref<4x128xi32, #tpu.memory_space<vmem>>, vector<16xi32>,
    %and3A_556 = arith.constant 3 : i32
    %and3A_557 = vector.broadcast %and3A_556 : i32 to vector<16xi32>
    %and3A_558 = arith.andi %iota3A, %and3A_557 : vector<16xi32>
    %shift_right_arithmetic3A_559 = arith.constant 2 : i32
    %shift_right_arithmetic3A_560 = vector.broadcast %shift_right_arithmetic3A_559 : i32 to vector<16xi32>
    %shift_right_arithmetic3A_561 = arith.shrsi %iota3A, %shift_right_arithmetic3A_560 : vector<16xi32>
    %add3A_562 = arith.constant 64 : i32
    %add3A_563 = vector.broadcast %add3A_562 : i32 to vector<16xi32>
    %add3A_564 = arith.addi %add3A_563, %shift_right_arithmetic3A_561 : vector<16xi32>
    %gather3A_565 = tpu.vector_load_idx %arg8[%and3A_558, %add3A_564] : memref<4x128xi32, #tpu.memory_space<vmem>>[vector<16xi32>, vector<16xi32>], vector<16xi32>,
    %sub3A_566 = arith.constant 1 : i32
    %sub3A_567 = vector.broadcast %sub3A_566 : i32 to vector<16xi32>
    %sub3A_568 = arith.subi %gather3A_565, %sub3A_567 : vector<16xi32>
    %swap3A_569 = arith.constant 2 : i32
    %swap3A_570 = arith.index_cast %swap3A_569 : i32 to index
    %swap3A_571 = arith.constant 0 : index
    %swap3A_572 = tpu.vector_load %arg10[%swap3A_570, %swap3A_571] {strides = array<i32>} : memref<4x128xi32, #tpu.memory_space<vmem>>, vector<16xi32>,
    tpu.vector_store %arg10[%swap3A_570, %swap3A_571], %sub3A_568 {strides = array<i32>} : memref<4x128xi32, #tpu.memory_space<vmem>>, vector<16xi32>,
    %gather3A_573 = tpu.vector_load_idx %arg9[%and3A_558, %add3A_564] : memref<4x128xi32, #tpu.memory_space<vmem>>[vector<16xi32>, vector<16xi32>], vector<16xi32>,
    %sub3A_574 = arith.constant 1 : i32
    %sub3A_575 = vector.broadcast %sub3A_574 : i32 to vector<16xi32>
    %sub3A_576 = arith.subi %gather3A_573, %sub3A_575 : vector<16xi32>
    %swap3A_577 = arith.constant 2 : i32
    %swap3A_578 = arith.index_cast %swap3A_577 : i32 to index
    %swap3A_579 = arith.constant 0 : index
    %swap3A_580 = tpu.vector_load %arg11[%swap3A_578, %swap3A_579] {strides = array<i32>} : memref<4x128xi32, #tpu.memory_space<vmem>>, vector<16xi32>,
    tpu.vector_store %arg11[%swap3A_578, %swap3A_579], %sub3A_576 {strides = array<i32>} : memref<4x128xi32, #tpu.memory_space<vmem>>, vector<16xi32>,
    %and3A_581 = arith.constant 3 : i32
    %and3A_582 = vector.broadcast %and3A_581 : i32 to vector<16xi32>
    %and3A_583 = arith.andi %iota3A, %and3A_582 : vector<16xi32>
    %shift_right_arithmetic3A_584 = arith.constant 2 : i32
    %shift_right_arithmetic3A_585 = vector.broadcast %shift_right_arithmetic3A_584 : i32 to vector<16xi32>
    %shift_right_arithmetic3A_586 = arith.shrsi %iota3A, %shift_right_arithmetic3A_585 : vector<16xi32>
    %add3A_587 = arith.constant 68 : i32
    %add3A_588 = vector.broadcast %add3A_587 : i32 to vector<16xi32>
    %add3A_589 = arith.addi %add3A_588, %shift_right_arithmetic3A_586 : vector<16xi32>
    %gather3A_590 = tpu.vector_load_idx %arg8[%and3A_583, %add3A_589] : memref<4x128xi32, #tpu.memory_space<vmem>>[vector<16xi32>, vector<16xi32>], vector<16xi32>,
    %sub3A_591 = arith.constant 1 : i32
    %sub3A_592 = vector.broadcast %sub3A_591 : i32 to vector<16xi32>
    %sub3A_593 = arith.subi %gather3A_590, %sub3A_592 : vector<16xi32>
    %swap3A_594 = arith.constant 2 : i32
    %swap3A_595 = arith.index_cast %swap3A_594 : i32 to index
    %swap3A_596 = arith.constant 16 : index
    %swap3A_597 = tpu.vector_load %arg10[%swap3A_595, %swap3A_596] {strides = array<i32>} : memref<4x128xi32, #tpu.memory_space<vmem>>, vector<16xi32>,
    tpu.vector_store %arg10[%swap3A_595, %swap3A_596], %sub3A_593 {strides = array<i32>} : memref<4x128xi32, #tpu.memory_space<vmem>>, vector<16xi32>,
    %gather3A_598 = tpu.vector_load_idx %arg9[%and3A_583, %add3A_589] : memref<4x128xi32, #tpu.memory_space<vmem>>[vector<16xi32>, vector<16xi32>], vector<16xi32>,
    %sub3A_599 = arith.constant 1 : i32
    %sub3A_600 = vector.broadcast %sub3A_599 : i32 to vector<16xi32>
    %sub3A_601 = arith.subi %gather3A_598, %sub3A_600 : vector<16xi32>
    %swap3A_602 = arith.constant 2 : i32
    %swap3A_603 = arith.index_cast %swap3A_602 : i32 to index
    %swap3A_604 = arith.constant 16 : index
    %swap3A_605 = tpu.vector_load %arg11[%swap3A_603, %swap3A_604] {strides = array<i32>} : memref<4x128xi32, #tpu.memory_space<vmem>>, vector<16xi32>,
    tpu.vector_store %arg11[%swap3A_603, %swap3A_604], %sub3A_601 {strides = array<i32>} : memref<4x128xi32, #tpu.memory_space<vmem>>, vector<16xi32>,
    %and3A_606 = arith.constant 3 : i32
    %and3A_607 = vector.broadcast %and3A_606 : i32 to vector<16xi32>
    %and3A_608 = arith.andi %iota3A, %and3A_607 : vector<16xi32>
    %shift_right_arithmetic3A_609 = arith.constant 2 : i32
    %shift_right_arithmetic3A_610 = vector.broadcast %shift_right_arithmetic3A_609 : i32 to vector<16xi32>
    %shift_right_arithmetic3A_611 = arith.shrsi %iota3A, %shift_right_arithmetic3A_610 : vector<16xi32>
    %add3A_612 = arith.constant 72 : i32
    %add3A_613 = vector.broadcast %add3A_612 : i32 to vector<16xi32>
    %add3A_614 = arith.addi %add3A_613, %shift_right_arithmetic3A_611 : vector<16xi32>
    %gather3A_615 = tpu.vector_load_idx %arg8[%and3A_608, %add3A_614] : memref<4x128xi32, #tpu.memory_space<vmem>>[vector<16xi32>, vector<16xi32>], vector<16xi32>,
    %sub3A_616 = arith.constant 1 : i32
    %sub3A_617 = vector.broadcast %sub3A_616 : i32 to vector<16xi32>
    %sub3A_618 = arith.subi %gather3A_615, %sub3A_617 : vector<16xi32>
    %swap3A_619 = arith.constant 2 : i32
    %swap3A_620 = arith.index_cast %swap3A_619 : i32 to index
    %swap3A_621 = arith.constant 32 : index
    %swap3A_622 = tpu.vector_load %arg10[%swap3A_620, %swap3A_621] {strides = array<i32>} : memref<4x128xi32, #tpu.memory_space<vmem>>, vector<16xi32>,
    tpu.vector_store %arg10[%swap3A_620, %swap3A_621], %sub3A_618 {strides = array<i32>} : memref<4x128xi32, #tpu.memory_space<vmem>>, vector<16xi32>,
    %gather3A_623 = tpu.vector_load_idx %arg9[%and3A_608, %add3A_614] : memref<4x128xi32, #tpu.memory_space<vmem>>[vector<16xi32>, vector<16xi32>], vector<16xi32>,
    %sub3A_624 = arith.constant 1 : i32
    %sub3A_625 = vector.broadcast %sub3A_624 : i32 to vector<16xi32>
    %sub3A_626 = arith.subi %gather3A_623, %sub3A_625 : vector<16xi32>
    %swap3A_627 = arith.constant 2 : i32
    %swap3A_628 = arith.index_cast %swap3A_627 : i32 to index
    %swap3A_629 = arith.constant 32 : index
    %swap3A_630 = tpu.vector_load %arg11[%swap3A_628, %swap3A_629] {strides = array<i32>} : memref<4x128xi32, #tpu.memory_space<vmem>>, vector<16xi32>,
    tpu.vector_store %arg11[%swap3A_628, %swap3A_629], %sub3A_626 {strides = array<i32>} : memref<4x128xi32, #tpu.memory_space<vmem>>, vector<16xi32>,
    %and3A_631 = arith.constant 3 : i32
    %and3A_632 = vector.broadcast %and3A_631 : i32 to vector<16xi32>
    %and3A_633 = arith.andi %iota3A, %and3A_632 : vector<16xi32>
    %shift_right_arithmetic3A_634 = arith.constant 2 : i32
    %shift_right_arithmetic3A_635 = vector.broadcast %shift_right_arithmetic3A_634 : i32 to vector<16xi32>
    %shift_right_arithmetic3A_636 = arith.shrsi %iota3A, %shift_right_arithmetic3A_635 : vector<16xi32>
    %add3A_637 = arith.constant 76 : i32
    %add3A_638 = vector.broadcast %add3A_637 : i32 to vector<16xi32>
    %add3A_639 = arith.addi %add3A_638, %shift_right_arithmetic3A_636 : vector<16xi32>
    %gather3A_640 = tpu.vector_load_idx %arg8[%and3A_633, %add3A_639] : memref<4x128xi32, #tpu.memory_space<vmem>>[vector<16xi32>, vector<16xi32>], vector<16xi32>,
    %sub3A_641 = arith.constant 1 : i32
    %sub3A_642 = vector.broadcast %sub3A_641 : i32 to vector<16xi32>
    %sub3A_643 = arith.subi %gather3A_640, %sub3A_642 : vector<16xi32>
    %swap3A_644 = arith.constant 2 : i32
    %swap3A_645 = arith.index_cast %swap3A_644 : i32 to index
    %swap3A_646 = arith.constant 48 : index
    %swap3A_647 = tpu.vector_load %arg10[%swap3A_645, %swap3A_646] {strides = array<i32>} : memref<4x128xi32, #tpu.memory_space<vmem>>, vector<16xi32>,
    tpu.vector_store %arg10[%swap3A_645, %swap3A_646], %sub3A_643 {strides = array<i32>} : memref<4x128xi32, #tpu.memory_space<vmem>>, vector<16xi32>,
    %gather3A_648 = tpu.vector_load_idx %arg9[%and3A_633, %add3A_639] : memref<4x128xi32, #tpu.memory_space<vmem>>[vector<16xi32>, vector<16xi32>], vector<16xi32>,
    %sub3A_649 = arith.constant 1 : i32
    %sub3A_650 = vector.broadcast %sub3A_649 : i32 to vector<16xi32>
    %sub3A_651 = arith.subi %gather3A_648, %sub3A_650 : vector<16xi32>
    %swap3A_652 = arith.constant 2 : i32
    %swap3A_653 = arith.index_cast %swap3A_652 : i32 to index
    %swap3A_654 = arith.constant 48 : index
    %swap3A_655 = tpu.vector_load %arg11[%swap3A_653, %swap3A_654] {strides = array<i32>} : memref<4x128xi32, #tpu.memory_space<vmem>>, vector<16xi32>,
    tpu.vector_store %arg11[%swap3A_653, %swap3A_654], %sub3A_651 {strides = array<i32>} : memref<4x128xi32, #tpu.memory_space<vmem>>, vector<16xi32>,
    %and3A_656 = arith.constant 3 : i32
    %and3A_657 = vector.broadcast %and3A_656 : i32 to vector<16xi32>
    %and3A_658 = arith.andi %iota3A, %and3A_657 : vector<16xi32>
    %shift_right_arithmetic3A_659 = arith.constant 2 : i32
    %shift_right_arithmetic3A_660 = vector.broadcast %shift_right_arithmetic3A_659 : i32 to vector<16xi32>
    %shift_right_arithmetic3A_661 = arith.shrsi %iota3A, %shift_right_arithmetic3A_660 : vector<16xi32>
    %add3A_662 = arith.constant 80 : i32
    %add3A_663 = vector.broadcast %add3A_662 : i32 to vector<16xi32>
    %add3A_664 = arith.addi %add3A_663, %shift_right_arithmetic3A_661 : vector<16xi32>
    %gather3A_665 = tpu.vector_load_idx %arg8[%and3A_658, %add3A_664] : memref<4x128xi32, #tpu.memory_space<vmem>>[vector<16xi32>, vector<16xi32>], vector<16xi32>,
    %sub3A_666 = arith.constant 1 : i32
    %sub3A_667 = vector.broadcast %sub3A_666 : i32 to vector<16xi32>
    %sub3A_668 = arith.subi %gather3A_665, %sub3A_667 : vector<16xi32>
    %swap3A_669 = arith.constant 2 : i32
    %swap3A_670 = arith.index_cast %swap3A_669 : i32 to index
    %swap3A_671 = arith.constant 64 : index
    %swap3A_672 = tpu.vector_load %arg10[%swap3A_670, %swap3A_671] {strides = array<i32>} : memref<4x128xi32, #tpu.memory_space<vmem>>, vector<16xi32>,
    tpu.vector_store %arg10[%swap3A_670, %swap3A_671], %sub3A_668 {strides = array<i32>} : memref<4x128xi32, #tpu.memory_space<vmem>>, vector<16xi32>,
    %gather3A_673 = tpu.vector_load_idx %arg9[%and3A_658, %add3A_664] : memref<4x128xi32, #tpu.memory_space<vmem>>[vector<16xi32>, vector<16xi32>], vector<16xi32>,
    %sub3A_674 = arith.constant 1 : i32
    %sub3A_675 = vector.broadcast %sub3A_674 : i32 to vector<16xi32>
    %sub3A_676 = arith.subi %gather3A_673, %sub3A_675 : vector<16xi32>
    %swap3A_677 = arith.constant 2 : i32
    %swap3A_678 = arith.index_cast %swap3A_677 : i32 to index
    %swap3A_679 = arith.constant 64 : index
    %swap3A_680 = tpu.vector_load %arg11[%swap3A_678, %swap3A_679] {strides = array<i32>} : memref<4x128xi32, #tpu.memory_space<vmem>>, vector<16xi32>,
    tpu.vector_store %arg11[%swap3A_678, %swap3A_679], %sub3A_676 {strides = array<i32>} : memref<4x128xi32, #tpu.memory_space<vmem>>, vector<16xi32>,
    %and3A_681 = arith.constant 3 : i32
    %and3A_682 = vector.broadcast %and3A_681 : i32 to vector<16xi32>
    %and3A_683 = arith.andi %iota3A, %and3A_682 : vector<16xi32>
    %shift_right_arithmetic3A_684 = arith.constant 2 : i32
    %shift_right_arithmetic3A_685 = vector.broadcast %shift_right_arithmetic3A_684 : i32 to vector<16xi32>
    %shift_right_arithmetic3A_686 = arith.shrsi %iota3A, %shift_right_arithmetic3A_685 : vector<16xi32>
    %add3A_687 = arith.constant 84 : i32
    %add3A_688 = vector.broadcast %add3A_687 : i32 to vector<16xi32>
    %add3A_689 = arith.addi %add3A_688, %shift_right_arithmetic3A_686 : vector<16xi32>
    %gather3A_690 = tpu.vector_load_idx %arg8[%and3A_683, %add3A_689] : memref<4x128xi32, #tpu.memory_space<vmem>>[vector<16xi32>, vector<16xi32>], vector<16xi32>,
    %sub3A_691 = arith.constant 1 : i32
    %sub3A_692 = vector.broadcast %sub3A_691 : i32 to vector<16xi32>
    %sub3A_693 = arith.subi %gather3A_690, %sub3A_692 : vector<16xi32>
    %swap3A_694 = arith.constant 2 : i32
    %swap3A_695 = arith.index_cast %swap3A_694 : i32 to index
    %swap3A_696 = arith.constant 80 : index
    %swap3A_697 = tpu.vector_load %arg10[%swap3A_695, %swap3A_696] {strides = array<i32>} : memref<4x128xi32, #tpu.memory_space<vmem>>, vector<16xi32>,
    tpu.vector_store %arg10[%swap3A_695, %swap3A_696], %sub3A_693 {strides = array<i32>} : memref<4x128xi32, #tpu.memory_space<vmem>>, vector<16xi32>,
    %gather3A_698 = tpu.vector_load_idx %arg9[%and3A_683, %add3A_689] : memref<4x128xi32, #tpu.memory_space<vmem>>[vector<16xi32>, vector<16xi32>], vector<16xi32>,
    %sub3A_699 = arith.constant 1 : i32
    %sub3A_700 = vector.broadcast %sub3A_699 : i32 to vector<16xi32>
    %sub3A_701 = arith.subi %gather3A_698, %sub3A_700 : vector<16xi32>
    %swap3A_702 = arith.constant 2 : i32
    %swap3A_703 = arith.index_cast %swap3A_702 : i32 to index
    %swap3A_704 = arith.constant 80 : index
    %swap3A_705 = tpu.vector_load %arg11[%swap3A_703, %swap3A_704] {strides = array<i32>} : memref<4x128xi32, #tpu.memory_space<vmem>>, vector<16xi32>,
    tpu.vector_store %arg11[%swap3A_703, %swap3A_704], %sub3A_701 {strides = array<i32>} : memref<4x128xi32, #tpu.memory_space<vmem>>, vector<16xi32>,
    %and3A_706 = arith.constant 3 : i32
    %and3A_707 = vector.broadcast %and3A_706 : i32 to vector<16xi32>
    %and3A_708 = arith.andi %iota3A, %and3A_707 : vector<16xi32>
    %shift_right_arithmetic3A_709 = arith.constant 2 : i32
    %shift_right_arithmetic3A_710 = vector.broadcast %shift_right_arithmetic3A_709 : i32 to vector<16xi32>
    %shift_right_arithmetic3A_711 = arith.shrsi %iota3A, %shift_right_arithmetic3A_710 : vector<16xi32>
    %add3A_712 = arith.constant 88 : i32
    %add3A_713 = vector.broadcast %add3A_712 : i32 to vector<16xi32>
    %add3A_714 = arith.addi %add3A_713, %shift_right_arithmetic3A_711 : vector<16xi32>
    %gather3A_715 = tpu.vector_load_idx %arg8[%and3A_708, %add3A_714] : memref<4x128xi32, #tpu.memory_space<vmem>>[vector<16xi32>, vector<16xi32>], vector<16xi32>,
    %sub3A_716 = arith.constant 1 : i32
    %sub3A_717 = vector.broadcast %sub3A_716 : i32 to vector<16xi32>
    %sub3A_718 = arith.subi %gather3A_715, %sub3A_717 : vector<16xi32>
    %swap3A_719 = arith.constant 2 : i32
    %swap3A_720 = arith.index_cast %swap3A_719 : i32 to index
    %swap3A_721 = arith.constant 96 : index
    %swap3A_722 = tpu.vector_load %arg10[%swap3A_720, %swap3A_721] {strides = array<i32>} : memref<4x128xi32, #tpu.memory_space<vmem>>, vector<16xi32>,
    tpu.vector_store %arg10[%swap3A_720, %swap3A_721], %sub3A_718 {strides = array<i32>} : memref<4x128xi32, #tpu.memory_space<vmem>>, vector<16xi32>,
    %gather3A_723 = tpu.vector_load_idx %arg9[%and3A_708, %add3A_714] : memref<4x128xi32, #tpu.memory_space<vmem>>[vector<16xi32>, vector<16xi32>], vector<16xi32>,
    %sub3A_724 = arith.constant 1 : i32
    %sub3A_725 = vector.broadcast %sub3A_724 : i32 to vector<16xi32>
    %sub3A_726 = arith.subi %gather3A_723, %sub3A_725 : vector<16xi32>
    %swap3A_727 = arith.constant 2 : i32
    %swap3A_728 = arith.index_cast %swap3A_727 : i32 to index
    %swap3A_729 = arith.constant 96 : index
    %swap3A_730 = tpu.vector_load %arg11[%swap3A_728, %swap3A_729] {strides = array<i32>} : memref<4x128xi32, #tpu.memory_space<vmem>>, vector<16xi32>,
    tpu.vector_store %arg11[%swap3A_728, %swap3A_729], %sub3A_726 {strides = array<i32>} : memref<4x128xi32, #tpu.memory_space<vmem>>, vector<16xi32>,
    %and3A_731 = arith.constant 3 : i32
    %and3A_732 = vector.broadcast %and3A_731 : i32 to vector<16xi32>
    %and3A_733 = arith.andi %iota3A, %and3A_732 : vector<16xi32>
    %shift_right_arithmetic3A_734 = arith.constant 2 : i32
    %shift_right_arithmetic3A_735 = vector.broadcast %shift_right_arithmetic3A_734 : i32 to vector<16xi32>
    %shift_right_arithmetic3A_736 = arith.shrsi %iota3A, %shift_right_arithmetic3A_735 : vector<16xi32>
    %add3A_737 = arith.constant 92 : i32
    %add3A_738 = vector.broadcast %add3A_737 : i32 to vector<16xi32>
    %add3A_739 = arith.addi %add3A_738, %shift_right_arithmetic3A_736 : vector<16xi32>
    %gather3A_740 = tpu.vector_load_idx %arg8[%and3A_733, %add3A_739] : memref<4x128xi32, #tpu.memory_space<vmem>>[vector<16xi32>, vector<16xi32>], vector<16xi32>,
    %sub3A_741 = arith.constant 1 : i32
    %sub3A_742 = vector.broadcast %sub3A_741 : i32 to vector<16xi32>
    %sub3A_743 = arith.subi %gather3A_740, %sub3A_742 : vector<16xi32>
    %swap3A_744 = arith.constant 2 : i32
    %swap3A_745 = arith.index_cast %swap3A_744 : i32 to index
    %swap3A_746 = arith.constant 112 : index
    %swap3A_747 = tpu.vector_load %arg10[%swap3A_745, %swap3A_746] {strides = array<i32>} : memref<4x128xi32, #tpu.memory_space<vmem>>, vector<16xi32>,
    tpu.vector_store %arg10[%swap3A_745, %swap3A_746], %sub3A_743 {strides = array<i32>} : memref<4x128xi32, #tpu.memory_space<vmem>>, vector<16xi32>,
    %gather3A_748 = tpu.vector_load_idx %arg9[%and3A_733, %add3A_739] : memref<4x128xi32, #tpu.memory_space<vmem>>[vector<16xi32>, vector<16xi32>], vector<16xi32>,
    %sub3A_749 = arith.constant 1 : i32
    %sub3A_750 = vector.broadcast %sub3A_749 : i32 to vector<16xi32>
    %sub3A_751 = arith.subi %gather3A_748, %sub3A_750 : vector<16xi32>
    %swap3A_752 = arith.constant 2 : i32
    %swap3A_753 = arith.index_cast %swap3A_752 : i32 to index
    %swap3A_754 = arith.constant 112 : index
    %swap3A_755 = tpu.vector_load %arg11[%swap3A_753, %swap3A_754] {strides = array<i32>} : memref<4x128xi32, #tpu.memory_space<vmem>>, vector<16xi32>,
    tpu.vector_store %arg11[%swap3A_753, %swap3A_754], %sub3A_751 {strides = array<i32>} : memref<4x128xi32, #tpu.memory_space<vmem>>, vector<16xi32>,
    %and3A_756 = arith.constant 3 : i32
    %and3A_757 = vector.broadcast %and3A_756 : i32 to vector<16xi32>
    %and3A_758 = arith.andi %iota3A, %and3A_757 : vector<16xi32>
    %shift_right_arithmetic3A_759 = arith.constant 2 : i32
    %shift_right_arithmetic3A_760 = vector.broadcast %shift_right_arithmetic3A_759 : i32 to vector<16xi32>
    %shift_right_arithmetic3A_761 = arith.shrsi %iota3A, %shift_right_arithmetic3A_760 : vector<16xi32>
    %add3A_762 = arith.constant 96 : i32
    %add3A_763 = vector.broadcast %add3A_762 : i32 to vector<16xi32>
    %add3A_764 = arith.addi %add3A_763, %shift_right_arithmetic3A_761 : vector<16xi32>
    %gather3A_765 = tpu.vector_load_idx %arg8[%and3A_758, %add3A_764] : memref<4x128xi32, #tpu.memory_space<vmem>>[vector<16xi32>, vector<16xi32>], vector<16xi32>,
    %sub3A_766 = arith.constant 1 : i32
    %sub3A_767 = vector.broadcast %sub3A_766 : i32 to vector<16xi32>
    %sub3A_768 = arith.subi %gather3A_765, %sub3A_767 : vector<16xi32>
    %swap3A_769 = arith.constant 3 : i32
    %swap3A_770 = arith.index_cast %swap3A_769 : i32 to index
    %swap3A_771 = arith.constant 0 : index
    %swap3A_772 = tpu.vector_load %arg10[%swap3A_770, %swap3A_771] {strides = array<i32>} : memref<4x128xi32, #tpu.memory_space<vmem>>, vector<16xi32>,
    tpu.vector_store %arg10[%swap3A_770, %swap3A_771], %sub3A_768 {strides = array<i32>} : memref<4x128xi32, #tpu.memory_space<vmem>>, vector<16xi32>,
    %gather3A_773 = tpu.vector_load_idx %arg9[%and3A_758, %add3A_764] : memref<4x128xi32, #tpu.memory_space<vmem>>[vector<16xi32>, vector<16xi32>], vector<16xi32>,
    %sub3A_774 = arith.constant 1 : i32
    %sub3A_775 = vector.broadcast %sub3A_774 : i32 to vector<16xi32>
    %sub3A_776 = arith.subi %gather3A_773, %sub3A_775 : vector<16xi32>
    %swap3A_777 = arith.constant 3 : i32
    %swap3A_778 = arith.index_cast %swap3A_777 : i32 to index
    %swap3A_779 = arith.constant 0 : index
    %swap3A_780 = tpu.vector_load %arg11[%swap3A_778, %swap3A_779] {strides = array<i32>} : memref<4x128xi32, #tpu.memory_space<vmem>>, vector<16xi32>,
    tpu.vector_store %arg11[%swap3A_778, %swap3A_779], %sub3A_776 {strides = array<i32>} : memref<4x128xi32, #tpu.memory_space<vmem>>, vector<16xi32>,
    %and3A_781 = arith.constant 3 : i32
    %and3A_782 = vector.broadcast %and3A_781 : i32 to vector<16xi32>
    %and3A_783 = arith.andi %iota3A, %and3A_782 : vector<16xi32>
    %shift_right_arithmetic3A_784 = arith.constant 2 : i32
    %shift_right_arithmetic3A_785 = vector.broadcast %shift_right_arithmetic3A_784 : i32 to vector<16xi32>
    %shift_right_arithmetic3A_786 = arith.shrsi %iota3A, %shift_right_arithmetic3A_785 : vector<16xi32>
    %add3A_787 = arith.constant 100 : i32
    %add3A_788 = vector.broadcast %add3A_787 : i32 to vector<16xi32>
    %add3A_789 = arith.addi %add3A_788, %shift_right_arithmetic3A_786 : vector<16xi32>
    %gather3A_790 = tpu.vector_load_idx %arg8[%and3A_783, %add3A_789] : memref<4x128xi32, #tpu.memory_space<vmem>>[vector<16xi32>, vector<16xi32>], vector<16xi32>,
    %sub3A_791 = arith.constant 1 : i32
    %sub3A_792 = vector.broadcast %sub3A_791 : i32 to vector<16xi32>
    %sub3A_793 = arith.subi %gather3A_790, %sub3A_792 : vector<16xi32>
    %swap3A_794 = arith.constant 3 : i32
    %swap3A_795 = arith.index_cast %swap3A_794 : i32 to index
    %swap3A_796 = arith.constant 16 : index
    %swap3A_797 = tpu.vector_load %arg10[%swap3A_795, %swap3A_796] {strides = array<i32>} : memref<4x128xi32, #tpu.memory_space<vmem>>, vector<16xi32>,
    tpu.vector_store %arg10[%swap3A_795, %swap3A_796], %sub3A_793 {strides = array<i32>} : memref<4x128xi32, #tpu.memory_space<vmem>>, vector<16xi32>,
    %gather3A_798 = tpu.vector_load_idx %arg9[%and3A_783, %add3A_789] : memref<4x128xi32, #tpu.memory_space<vmem>>[vector<16xi32>, vector<16xi32>], vector<16xi32>,
    %sub3A_799 = arith.constant 1 : i32
    %sub3A_800 = vector.broadcast %sub3A_799 : i32 to vector<16xi32>
    %sub3A_801 = arith.subi %gather3A_798, %sub3A_800 : vector<16xi32>
    %swap3A_802 = arith.constant 3 : i32
    %swap3A_803 = arith.index_cast %swap3A_802 : i32 to index
    %swap3A_804 = arith.constant 16 : index
    %swap3A_805 = tpu.vector_load %arg11[%swap3A_803, %swap3A_804] {strides = array<i32>} : memref<4x128xi32, #tpu.memory_space<vmem>>, vector<16xi32>,
    tpu.vector_store %arg11[%swap3A_803, %swap3A_804], %sub3A_801 {strides = array<i32>} : memref<4x128xi32, #tpu.memory_space<vmem>>, vector<16xi32>,
    %and3A_806 = arith.constant 3 : i32
    %and3A_807 = vector.broadcast %and3A_806 : i32 to vector<16xi32>
    %and3A_808 = arith.andi %iota3A, %and3A_807 : vector<16xi32>
    %shift_right_arithmetic3A_809 = arith.constant 2 : i32
    %shift_right_arithmetic3A_810 = vector.broadcast %shift_right_arithmetic3A_809 : i32 to vector<16xi32>
    %shift_right_arithmetic3A_811 = arith.shrsi %iota3A, %shift_right_arithmetic3A_810 : vector<16xi32>
    %add3A_812 = arith.constant 104 : i32
    %add3A_813 = vector.broadcast %add3A_812 : i32 to vector<16xi32>
    %add3A_814 = arith.addi %add3A_813, %shift_right_arithmetic3A_811 : vector<16xi32>
    %gather3A_815 = tpu.vector_load_idx %arg8[%and3A_808, %add3A_814] : memref<4x128xi32, #tpu.memory_space<vmem>>[vector<16xi32>, vector<16xi32>], vector<16xi32>,
    %sub3A_816 = arith.constant 1 : i32
    %sub3A_817 = vector.broadcast %sub3A_816 : i32 to vector<16xi32>
    %sub3A_818 = arith.subi %gather3A_815, %sub3A_817 : vector<16xi32>
    %swap3A_819 = arith.constant 3 : i32
    %swap3A_820 = arith.index_cast %swap3A_819 : i32 to index
    %swap3A_821 = arith.constant 32 : index
    %swap3A_822 = tpu.vector_load %arg10[%swap3A_820, %swap3A_821] {strides = array<i32>} : memref<4x128xi32, #tpu.memory_space<vmem>>, vector<16xi32>,
    tpu.vector_store %arg10[%swap3A_820, %swap3A_821], %sub3A_818 {strides = array<i32>} : memref<4x128xi32, #tpu.memory_space<vmem>>, vector<16xi32>,
    %gather3A_823 = tpu.vector_load_idx %arg9[%and3A_808, %add3A_814] : memref<4x128xi32, #tpu.memory_space<vmem>>[vector<16xi32>, vector<16xi32>], vector<16xi32>,
    %sub3A_824 = arith.constant 1 : i32
    %sub3A_825 = vector.broadcast %sub3A_824 : i32 to vector<16xi32>
    %sub3A_826 = arith.subi %gather3A_823, %sub3A_825 : vector<16xi32>
    %swap3A_827 = arith.constant 3 : i32
    %swap3A_828 = arith.index_cast %swap3A_827 : i32 to index
    %swap3A_829 = arith.constant 32 : index
    %swap3A_830 = tpu.vector_load %arg11[%swap3A_828, %swap3A_829] {strides = array<i32>} : memref<4x128xi32, #tpu.memory_space<vmem>>, vector<16xi32>,
    tpu.vector_store %arg11[%swap3A_828, %swap3A_829], %sub3A_826 {strides = array<i32>} : memref<4x128xi32, #tpu.memory_space<vmem>>, vector<16xi32>,
    %and3A_831 = arith.constant 3 : i32
    %and3A_832 = vector.broadcast %and3A_831 : i32 to vector<16xi32>
    %and3A_833 = arith.andi %iota3A, %and3A_832 : vector<16xi32>
    %shift_right_arithmetic3A_834 = arith.constant 2 : i32
    %shift_right_arithmetic3A_835 = vector.broadcast %shift_right_arithmetic3A_834 : i32 to vector<16xi32>
    %shift_right_arithmetic3A_836 = arith.shrsi %iota3A, %shift_right_arithmetic3A_835 : vector<16xi32>
    %add3A_837 = arith.constant 108 : i32
    %add3A_838 = vector.broadcast %add3A_837 : i32 to vector<16xi32>
    %add3A_839 = arith.addi %add3A_838, %shift_right_arithmetic3A_836 : vector<16xi32>
    %gather3A_840 = tpu.vector_load_idx %arg8[%and3A_833, %add3A_839] : memref<4x128xi32, #tpu.memory_space<vmem>>[vector<16xi32>, vector<16xi32>], vector<16xi32>,
    %sub3A_841 = arith.constant 1 : i32
    %sub3A_842 = vector.broadcast %sub3A_841 : i32 to vector<16xi32>
    %sub3A_843 = arith.subi %gather3A_840, %sub3A_842 : vector<16xi32>
    %swap3A_844 = arith.constant 3 : i32
    %swap3A_845 = arith.index_cast %swap3A_844 : i32 to index
    %swap3A_846 = arith.constant 48 : index
    %swap3A_847 = tpu.vector_load %arg10[%swap3A_845, %swap3A_846] {strides = array<i32>} : memref<4x128xi32, #tpu.memory_space<vmem>>, vector<16xi32>,
    tpu.vector_store %arg10[%swap3A_845, %swap3A_846], %sub3A_843 {strides = array<i32>} : memref<4x128xi32, #tpu.memory_space<vmem>>, vector<16xi32>,
    %gather3A_848 = tpu.vector_load_idx %arg9[%and3A_833, %add3A_839] : memref<4x128xi32, #tpu.memory_space<vmem>>[vector<16xi32>, vector<16xi32>], vector<16xi32>,
    %sub3A_849 = arith.constant 1 : i32
    %sub3A_850 = vector.broadcast %sub3A_849 : i32 to vector<16xi32>
    %sub3A_851 = arith.subi %gather3A_848, %sub3A_850 : vector<16xi32>
    %swap3A_852 = arith.constant 3 : i32
    %swap3A_853 = arith.index_cast %swap3A_852 : i32 to index
    %swap3A_854 = arith.constant 48 : index
    %swap3A_855 = tpu.vector_load %arg11[%swap3A_853, %swap3A_854] {strides = array<i32>} : memref<4x128xi32, #tpu.memory_space<vmem>>, vector<16xi32>,
    tpu.vector_store %arg11[%swap3A_853, %swap3A_854], %sub3A_851 {strides = array<i32>} : memref<4x128xi32, #tpu.memory_space<vmem>>, vector<16xi32>,
    %and3A_856 = arith.constant 3 : i32
    %and3A_857 = vector.broadcast %and3A_856 : i32 to vector<16xi32>
    %and3A_858 = arith.andi %iota3A, %and3A_857 : vector<16xi32>
    %shift_right_arithmetic3A_859 = arith.constant 2 : i32
    %shift_right_arithmetic3A_860 = vector.broadcast %shift_right_arithmetic3A_859 : i32 to vector<16xi32>
    %shift_right_arithmetic3A_861 = arith.shrsi %iota3A, %shift_right_arithmetic3A_860 : vector<16xi32>
    %add3A_862 = arith.constant 112 : i32
    %add3A_863 = vector.broadcast %add3A_862 : i32 to vector<16xi32>
    %add3A_864 = arith.addi %add3A_863, %shift_right_arithmetic3A_861 : vector<16xi32>
    %gather3A_865 = tpu.vector_load_idx %arg8[%and3A_858, %add3A_864] : memref<4x128xi32, #tpu.memory_space<vmem>>[vector<16xi32>, vector<16xi32>], vector<16xi32>,
    %sub3A_866 = arith.constant 1 : i32
    %sub3A_867 = vector.broadcast %sub3A_866 : i32 to vector<16xi32>
    %sub3A_868 = arith.subi %gather3A_865, %sub3A_867 : vector<16xi32>
    %swap3A_869 = arith.constant 3 : i32
    %swap3A_870 = arith.index_cast %swap3A_869 : i32 to index
    %swap3A_871 = arith.constant 64 : index
    %swap3A_872 = tpu.vector_load %arg10[%swap3A_870, %swap3A_871] {strides = array<i32>} : memref<4x128xi32, #tpu.memory_space<vmem>>, vector<16xi32>,
    tpu.vector_store %arg10[%swap3A_870, %swap3A_871], %sub3A_868 {strides = array<i32>} : memref<4x128xi32, #tpu.memory_space<vmem>>, vector<16xi32>,
    %gather3A_873 = tpu.vector_load_idx %arg9[%and3A_858, %add3A_864] : memref<4x128xi32, #tpu.memory_space<vmem>>[vector<16xi32>, vector<16xi32>], vector<16xi32>,
    %sub3A_874 = arith.constant 1 : i32
    %sub3A_875 = vector.broadcast %sub3A_874 : i32 to vector<16xi32>
    %sub3A_876 = arith.subi %gather3A_873, %sub3A_875 : vector<16xi32>
    %swap3A_877 = arith.constant 3 : i32
    %swap3A_878 = arith.index_cast %swap3A_877 : i32 to index
    %swap3A_879 = arith.constant 64 : index
    %swap3A_880 = tpu.vector_load %arg11[%swap3A_878, %swap3A_879] {strides = array<i32>} : memref<4x128xi32, #tpu.memory_space<vmem>>, vector<16xi32>,
    tpu.vector_store %arg11[%swap3A_878, %swap3A_879], %sub3A_876 {strides = array<i32>} : memref<4x128xi32, #tpu.memory_space<vmem>>, vector<16xi32>,
    %and3A_881 = arith.constant 3 : i32
    %and3A_882 = vector.broadcast %and3A_881 : i32 to vector<16xi32>
    %and3A_883 = arith.andi %iota3A, %and3A_882 : vector<16xi32>
    %shift_right_arithmetic3A_884 = arith.constant 2 : i32
    %shift_right_arithmetic3A_885 = vector.broadcast %shift_right_arithmetic3A_884 : i32 to vector<16xi32>
    %shift_right_arithmetic3A_886 = arith.shrsi %iota3A, %shift_right_arithmetic3A_885 : vector<16xi32>
    %add3A_887 = arith.constant 116 : i32
    %add3A_888 = vector.broadcast %add3A_887 : i32 to vector<16xi32>
    %add3A_889 = arith.addi %add3A_888, %shift_right_arithmetic3A_886 : vector<16xi32>
    %gather3A_890 = tpu.vector_load_idx %arg8[%and3A_883, %add3A_889] : memref<4x128xi32, #tpu.memory_space<vmem>>[vector<16xi32>, vector<16xi32>], vector<16xi32>,
    %sub3A_891 = arith.constant 1 : i32
    %sub3A_892 = vector.broadcast %sub3A_891 : i32 to vector<16xi32>
    %sub3A_893 = arith.subi %gather3A_890, %sub3A_892 : vector<16xi32>
    %swap3A_894 = arith.constant 3 : i32
    %swap3A_895 = arith.index_cast %swap3A_894 : i32 to index
    %swap3A_896 = arith.constant 80 : index
    %swap3A_897 = tpu.vector_load %arg10[%swap3A_895, %swap3A_896] {strides = array<i32>} : memref<4x128xi32, #tpu.memory_space<vmem>>, vector<16xi32>,
    tpu.vector_store %arg10[%swap3A_895, %swap3A_896], %sub3A_893 {strides = array<i32>} : memref<4x128xi32, #tpu.memory_space<vmem>>, vector<16xi32>,
    %gather3A_898 = tpu.vector_load_idx %arg9[%and3A_883, %add3A_889] : memref<4x128xi32, #tpu.memory_space<vmem>>[vector<16xi32>, vector<16xi32>], vector<16xi32>,
    %sub3A_899 = arith.constant 1 : i32
    %sub3A_900 = vector.broadcast %sub3A_899 : i32 to vector<16xi32>
    %sub3A_901 = arith.subi %gather3A_898, %sub3A_900 : vector<16xi32>
    %swap3A_902 = arith.constant 3 : i32
    %swap3A_903 = arith.index_cast %swap3A_902 : i32 to index
    %swap3A_904 = arith.constant 80 : index
    %swap3A_905 = tpu.vector_load %arg11[%swap3A_903, %swap3A_904] {strides = array<i32>} : memref<4x128xi32, #tpu.memory_space<vmem>>, vector<16xi32>,
    tpu.vector_store %arg11[%swap3A_903, %swap3A_904], %sub3A_901 {strides = array<i32>} : memref<4x128xi32, #tpu.memory_space<vmem>>, vector<16xi32>,
    %and3A_906 = arith.constant 3 : i32
    %and3A_907 = vector.broadcast %and3A_906 : i32 to vector<16xi32>
    %and3A_908 = arith.andi %iota3A, %and3A_907 : vector<16xi32>
    %shift_right_arithmetic3A_909 = arith.constant 2 : i32
    %shift_right_arithmetic3A_910 = vector.broadcast %shift_right_arithmetic3A_909 : i32 to vector<16xi32>
    %shift_right_arithmetic3A_911 = arith.shrsi %iota3A, %shift_right_arithmetic3A_910 : vector<16xi32>
    %add3A_912 = arith.constant 120 : i32
    %add3A_913 = vector.broadcast %add3A_912 : i32 to vector<16xi32>
    %add3A_914 = arith.addi %add3A_913, %shift_right_arithmetic3A_911 : vector<16xi32>
    %gather3A_915 = tpu.vector_load_idx %arg8[%and3A_908, %add3A_914] : memref<4x128xi32, #tpu.memory_space<vmem>>[vector<16xi32>, vector<16xi32>], vector<16xi32>,
    %sub3A_916 = arith.constant 1 : i32
    %sub3A_917 = vector.broadcast %sub3A_916 : i32 to vector<16xi32>
    %sub3A_918 = arith.subi %gather3A_915, %sub3A_917 : vector<16xi32>
    %swap3A_919 = arith.constant 3 : i32
    %swap3A_920 = arith.index_cast %swap3A_919 : i32 to index
    %swap3A_921 = arith.constant 96 : index
    %swap3A_922 = tpu.vector_load %arg10[%swap3A_920, %swap3A_921] {strides = array<i32>} : memref<4x128xi32, #tpu.memory_space<vmem>>, vector<16xi32>,
    tpu.vector_store %arg10[%swap3A_920, %swap3A_921], %sub3A_918 {strides = array<i32>} : memref<4x128xi32, #tpu.memory_space<vmem>>, vector<16xi32>,
    %gather3A_923 = tpu.vector_load_idx %arg9[%and3A_908, %add3A_914] : memref<4x128xi32, #tpu.memory_space<vmem>>[vector<16xi32>, vector<16xi32>], vector<16xi32>,
    %sub3A_924 = arith.constant 1 : i32
    %sub3A_925 = vector.broadcast %sub3A_924 : i32 to vector<16xi32>
    %sub3A_926 = arith.subi %gather3A_923, %sub3A_925 : vector<16xi32>
    %swap3A_927 = arith.constant 3 : i32
    %swap3A_928 = arith.index_cast %swap3A_927 : i32 to index
    %swap3A_929 = arith.constant 96 : index
    %swap3A_930 = tpu.vector_load %arg11[%swap3A_928, %swap3A_929] {strides = array<i32>} : memref<4x128xi32, #tpu.memory_space<vmem>>, vector<16xi32>,
    tpu.vector_store %arg11[%swap3A_928, %swap3A_929], %sub3A_926 {strides = array<i32>} : memref<4x128xi32, #tpu.memory_space<vmem>>, vector<16xi32>,
    %and3A_931 = arith.constant 3 : i32
    %and3A_932 = vector.broadcast %and3A_931 : i32 to vector<16xi32>
    %and3A_933 = arith.andi %iota3A, %and3A_932 : vector<16xi32>
    %shift_right_arithmetic3A_934 = arith.constant 2 : i32
    %shift_right_arithmetic3A_935 = vector.broadcast %shift_right_arithmetic3A_934 : i32 to vector<16xi32>
    %shift_right_arithmetic3A_936 = arith.shrsi %iota3A, %shift_right_arithmetic3A_935 : vector<16xi32>
    %add3A_937 = arith.constant 124 : i32
    %add3A_938 = vector.broadcast %add3A_937 : i32 to vector<16xi32>
    %add3A_939 = arith.addi %add3A_938, %shift_right_arithmetic3A_936 : vector<16xi32>
    %gather3A_940 = tpu.vector_load_idx %arg8[%and3A_933, %add3A_939] : memref<4x128xi32, #tpu.memory_space<vmem>>[vector<16xi32>, vector<16xi32>], vector<16xi32>,
    %sub3A_941 = arith.constant 1 : i32
    %sub3A_942 = vector.broadcast %sub3A_941 : i32 to vector<16xi32>
    %sub3A_943 = arith.subi %gather3A_940, %sub3A_942 : vector<16xi32>
    %swap3A_944 = arith.constant 3 : i32
    %swap3A_945 = arith.index_cast %swap3A_944 : i32 to index
    %swap3A_946 = arith.constant 112 : index
    %swap3A_947 = tpu.vector_load %arg10[%swap3A_945, %swap3A_946] {strides = array<i32>} : memref<4x128xi32, #tpu.memory_space<vmem>>, vector<16xi32>,
    tpu.vector_store %arg10[%swap3A_945, %swap3A_946], %sub3A_943 {strides = array<i32>} : memref<4x128xi32, #tpu.memory_space<vmem>>, vector<16xi32>,
    %gather3A_948 = tpu.vector_load_idx %arg9[%and3A_933, %add3A_939] : memref<4x128xi32, #tpu.memory_space<vmem>>[vector<16xi32>, vector<16xi32>], vector<16xi32>,
    %sub3A_949 = arith.constant 1 : i32
    %sub3A_950 = vector.broadcast %sub3A_949 : i32 to vector<16xi32>
    %sub3A_951 = arith.subi %gather3A_948, %sub3A_950 : vector<16xi32>
    %swap3A_952 = arith.constant 3 : i32
    %swap3A_953 = arith.index_cast %swap3A_952 : i32 to index
    %swap3A_954 = arith.constant 112 : index
    %swap3A_955 = tpu.vector_load %arg11[%swap3A_953, %swap3A_954] {strides = array<i32>} : memref<4x128xi32, #tpu.memory_space<vmem>>, vector<16xi32>,
    tpu.vector_store %arg11[%swap3A_953, %swap3A_954], %sub3A_951 {strides = array<i32>} : memref<4x128xi32, #tpu.memory_space<vmem>>, vector<16xi32>,
    %dma_start3A_956 = arith.constant 0 : i32
    %dma_start3A_957 = arith.constant 0 : i32
    %dma_start3A_958 = arith.constant 0 : i32
    %dma_start3A_959 = tpu.memref_slice %arg12[%dma_start3A_957, %dma_start3A_958] : memref<512x32xf32, #tpu.memory_space<vmem>> -> memref<128x32xf32, #tpu.memory_space<vmem>>
    %dma_start3A_960 = arith.constant 0 : i32
    %dma_start3A_961 = tpu.memref_slice %arg10[%dma_start3A_956, %dma_start3A_960] : memref<4x128xi32, #tpu.memory_space<vmem>> -> memref<1x128xi32, #tpu.memory_space<vmem>>
    %dma_start3A_962 = tpu.memref_squeeze %dma_start3A_961 : memref<1x128xi32, #tpu.memory_space<vmem>> -> memref<128xi32, #tpu.memory_space<vmem>>
    %dma_start3A_963 = arith.constant 0 : i32
    %dma_start3A_964 = arith.constant 0 : i32
    %dma_start3A_965 = tpu.memref_slice %arg4[%dma_start3A_963, %dma_start3A_964] : memref<10000x32xf32, #tpu.memory_space<hbm>> -> memref<10000x32xf32, #tpu.memory_space<hbm>>
    tpu.enqueue_indirect_dma source(%dma_start3A_965 : memref<10000x32xf32, #tpu.memory_space<hbm>>) target(%dma_start3A_959 : memref<128x32xf32, #tpu.memory_space<vmem>>) offsets(%dma_start3A_962 : memref<128xi32, #tpu.memory_space<vmem>>) semaphore(%arg14 : memref<!tpu.dma_semaphore, #tpu.memory_space<semaphore_mem>>)
    %dma_start3A_966 = arith.constant 0 : i32
    %dma_start3A_967 = arith.constant 0 : i32
    %dma_start3A_968 = arith.constant 0 : i32
    %dma_start3A_969 = tpu.memref_slice %arg13[%dma_start3A_967, %dma_start3A_968] : memref<512x32xf32, #tpu.memory_space<vmem>> -> memref<128x32xf32, #tpu.memory_space<vmem>>
    %dma_start3A_970 = arith.constant 0 : i32
    %dma_start3A_971 = tpu.memref_slice %arg11[%dma_start3A_966, %dma_start3A_970] : memref<4x128xi32, #tpu.memory_space<vmem>> -> memref<1x128xi32, #tpu.memory_space<vmem>>
    %dma_start3A_972 = tpu.memref_squeeze %dma_start3A_971 : memref<1x128xi32, #tpu.memory_space<vmem>> -> memref<128xi32, #tpu.memory_space<vmem>>
    %dma_start3A_973 = arith.constant 0 : i32
    %dma_start3A_974 = arith.constant 0 : i32
    %dma_start3A_975 = tpu.memref_slice %arg5[%dma_start3A_973, %dma_start3A_974] : memref<1000x32xf32, #tpu.memory_space<hbm>> -> memref<1000x32xf32, #tpu.memory_space<hbm>>
    tpu.enqueue_indirect_dma source(%dma_start3A_975 : memref<1000x32xf32, #tpu.memory_space<hbm>>) target(%dma_start3A_969 : memref<128x32xf32, #tpu.memory_space<vmem>>) offsets(%dma_start3A_972 : memref<128xi32, #tpu.memory_space<vmem>>) semaphore(%arg14 : memref<!tpu.dma_semaphore, #tpu.memory_space<semaphore_mem>>)
    %dma_start3A_976 = arith.constant 1 : i32
    %dma_start3A_977 = arith.constant 128 : i32
    %dma_start3A_978 = arith.constant 0 : i32
    %dma_start3A_979 = tpu.memref_slice %arg12[%dma_start3A_977, %dma_start3A_978] : memref<512x32xf32, #tpu.memory_space<vmem>> -> memref<128x32xf32, #tpu.memory_space<vmem>>
    %dma_start3A_980 = arith.constant 0 : i32
    %dma_start3A_981 = tpu.memref_slice %arg10[%dma_start3A_976, %dma_start3A_980] : memref<4x128xi32, #tpu.memory_space<vmem>> -> memref<1x128xi32, #tpu.memory_space<vmem>>
    %dma_start3A_982 = tpu.memref_squeeze %dma_start3A_981 : memref<1x128xi32, #tpu.memory_space<vmem>> -> memref<128xi32, #tpu.memory_space<vmem>>
    %dma_start3A_983 = arith.constant 0 : i32
    %dma_start3A_984 = arith.constant 0 : i32
    %dma_start3A_985 = tpu.memref_slice %arg4[%dma_start3A_983, %dma_start3A_984] : memref<10000x32xf32, #tpu.memory_space<hbm>> -> memref<10000x32xf32, #tpu.memory_space<hbm>>
    tpu.enqueue_indirect_dma source(%dma_start3A_985 : memref<10000x32xf32, #tpu.memory_space<hbm>>) target(%dma_start3A_979 : memref<128x32xf32, #tpu.memory_space<vmem>>) offsets(%dma_start3A_982 : memref<128xi32, #tpu.memory_space<vmem>>) semaphore(%arg14 : memref<!tpu.dma_semaphore, #tpu.memory_space<semaphore_mem>>)
    %dma_start3A_986 = arith.constant 1 : i32
    %dma_start3A_987 = arith.constant 128 : i32
    %dma_start3A_988 = arith.constant 0 : i32
    %dma_start3A_989 = tpu.memref_slice %arg13[%dma_start3A_987, %dma_start3A_988] : memref<512x32xf32, #tpu.memory_space<vmem>> -> memref<128x32xf32, #tpu.memory_space<vmem>>
    %dma_start3A_990 = arith.constant 0 : i32
    %dma_start3A_991 = tpu.memref_slice %arg11[%dma_start3A_986, %dma_start3A_990] : memref<4x128xi32, #tpu.memory_space<vmem>> -> memref<1x128xi32, #tpu.memory_space<vmem>>
    %dma_start3A_992 = tpu.memref_squeeze %dma_start3A_991 : memref<1x128xi32, #tpu.memory_space<vmem>> -> memref<128xi32, #tpu.memory_space<vmem>>
    %dma_start3A_993 = arith.constant 0 : i32
    %dma_start3A_994 = arith.constant 0 : i32
    %dma_start3A_995 = tpu.memref_slice %arg5[%dma_start3A_993, %dma_start3A_994] : memref<1000x32xf32, #tpu.memory_space<hbm>> -> memref<1000x32xf32, #tpu.memory_space<hbm>>
    tpu.enqueue_indirect_dma source(%dma_start3A_995 : memref<1000x32xf32, #tpu.memory_space<hbm>>) target(%dma_start3A_989 : memref<128x32xf32, #tpu.memory_space<vmem>>) offsets(%dma_start3A_992 : memref<128xi32, #tpu.memory_space<vmem>>) semaphore(%arg14 : memref<!tpu.dma_semaphore, #tpu.memory_space<semaphore_mem>>)
    %dma_start3A_996 = arith.constant 2 : i32
    %dma_start3A_997 = arith.constant 256 : i32
    %dma_start3A_998 = arith.constant 0 : i32
    %dma_start3A_999 = tpu.memref_slice %arg12[%dma_start3A_997, %dma_start3A_998] : memref<512x32xf32, #tpu.memory_space<vmem>> -> memref<128x32xf32, #tpu.memory_space<vmem>>
    %dma_start3A_1000 = arith.constant 0 : i32
    %dma_start3A_1001 = tpu.memref_slice %arg10[%dma_start3A_996, %dma_start3A_1000] : memref<4x128xi32, #tpu.memory_space<vmem>> -> memref<1x128xi32, #tpu.memory_space<vmem>>
    %dma_start3A_1002 = tpu.memref_squeeze %dma_start3A_1001 : memref<1x128xi32, #tpu.memory_space<vmem>> -> memref<128xi32, #tpu.memory_space<vmem>>
    %dma_start3A_1003 = arith.constant 0 : i32
    %dma_start3A_1004 = arith.constant 0 : i32
    %dma_start3A_1005 = tpu.memref_slice %arg4[%dma_start3A_1003, %dma_start3A_1004] : memref<10000x32xf32, #tpu.memory_space<hbm>> -> memref<10000x32xf32, #tpu.memory_space<hbm>>
    tpu.enqueue_indirect_dma source(%dma_start3A_1005 : memref<10000x32xf32, #tpu.memory_space<hbm>>) target(%dma_start3A_999 : memref<128x32xf32, #tpu.memory_space<vmem>>) offsets(%dma_start3A_1002 : memref<128xi32, #tpu.memory_space<vmem>>) semaphore(%arg14 : memref<!tpu.dma_semaphore, #tpu.memory_space<semaphore_mem>>)
    %dma_start3A_1006 = arith.constant 2 : i32
    %dma_start3A_1007 = arith.constant 256 : i32
    %dma_start3A_1008 = arith.constant 0 : i32
    %dma_start3A_1009 = tpu.memref_slice %arg13[%dma_start3A_1007, %dma_start3A_1008] : memref<512x32xf32, #tpu.memory_space<vmem>> -> memref<128x32xf32, #tpu.memory_space<vmem>>
    %dma_start3A_1010 = arith.constant 0 : i32
    %dma_start3A_1011 = tpu.memref_slice %arg11[%dma_start3A_1006, %dma_start3A_1010] : memref<4x128xi32, #tpu.memory_space<vmem>> -> memref<1x128xi32, #tpu.memory_space<vmem>>
    %dma_start3A_1012 = tpu.memref_squeeze %dma_start3A_1011 : memref<1x128xi32, #tpu.memory_space<vmem>> -> memref<128xi32, #tpu.memory_space<vmem>>
    %dma_start3A_1013 = arith.constant 0 : i32
    %dma_start3A_1014 = arith.constant 0 : i32
    %dma_start3A_1015 = tpu.memref_slice %arg5[%dma_start3A_1013, %dma_start3A_1014] : memref<1000x32xf32, #tpu.memory_space<hbm>> -> memref<1000x32xf32, #tpu.memory_space<hbm>>
    tpu.enqueue_indirect_dma source(%dma_start3A_1015 : memref<1000x32xf32, #tpu.memory_space<hbm>>) target(%dma_start3A_1009 : memref<128x32xf32, #tpu.memory_space<vmem>>) offsets(%dma_start3A_1012 : memref<128xi32, #tpu.memory_space<vmem>>) semaphore(%arg14 : memref<!tpu.dma_semaphore, #tpu.memory_space<semaphore_mem>>)
    %dma_start3A_1016 = arith.constant 3 : i32
    %dma_start3A_1017 = arith.constant 384 : i32
    %dma_start3A_1018 = arith.constant 0 : i32
    %dma_start3A_1019 = tpu.memref_slice %arg12[%dma_start3A_1017, %dma_start3A_1018] : memref<512x32xf32, #tpu.memory_space<vmem>> -> memref<128x32xf32, #tpu.memory_space<vmem>>
    %dma_start3A_1020 = arith.constant 0 : i32
    %dma_start3A_1021 = tpu.memref_slice %arg10[%dma_start3A_1016, %dma_start3A_1020] : memref<4x128xi32, #tpu.memory_space<vmem>> -> memref<1x128xi32, #tpu.memory_space<vmem>>
    %dma_start3A_1022 = tpu.memref_squeeze %dma_start3A_1021 : memref<1x128xi32, #tpu.memory_space<vmem>> -> memref<128xi32, #tpu.memory_space<vmem>>
    %dma_start3A_1023 = arith.constant 0 : i32
    %dma_start3A_1024 = arith.constant 0 : i32
    %dma_start3A_1025 = tpu.memref_slice %arg4[%dma_start3A_1023, %dma_start3A_1024] : memref<10000x32xf32, #tpu.memory_space<hbm>> -> memref<10000x32xf32, #tpu.memory_space<hbm>>
    tpu.enqueue_indirect_dma source(%dma_start3A_1025 : memref<10000x32xf32, #tpu.memory_space<hbm>>) target(%dma_start3A_1019 : memref<128x32xf32, #tpu.memory_space<vmem>>) offsets(%dma_start3A_1022 : memref<128xi32, #tpu.memory_space<vmem>>) semaphore(%arg14 : memref<!tpu.dma_semaphore, #tpu.memory_space<semaphore_mem>>)
    %dma_start3A_1026 = arith.constant 3 : i32
    %dma_start3A_1027 = arith.constant 384 : i32
    %dma_start3A_1028 = arith.constant 0 : i32
    %dma_start3A_1029 = tpu.memref_slice %arg13[%dma_start3A_1027, %dma_start3A_1028] : memref<512x32xf32, #tpu.memory_space<vmem>> -> memref<128x32xf32, #tpu.memory_space<vmem>>
    %dma_start3A_1030 = arith.constant 0 : i32
    %dma_start3A_1031 = tpu.memref_slice %arg11[%dma_start3A_1026, %dma_start3A_1030] : memref<4x128xi32, #tpu.memory_space<vmem>> -> memref<1x128xi32, #tpu.memory_space<vmem>>
    %dma_start3A_1032 = tpu.memref_squeeze %dma_start3A_1031 : memref<1x128xi32, #tpu.memory_space<vmem>> -> memref<128xi32, #tpu.memory_space<vmem>>
    %dma_start3A_1033 = arith.constant 0 : i32
    %dma_start3A_1034 = arith.constant 0 : i32
    %dma_start3A_1035 = tpu.memref_slice %arg5[%dma_start3A_1033, %dma_start3A_1034] : memref<1000x32xf32, #tpu.memory_space<hbm>> -> memref<1000x32xf32, #tpu.memory_space<hbm>>
    tpu.enqueue_indirect_dma source(%dma_start3A_1035 : memref<1000x32xf32, #tpu.memory_space<hbm>>) target(%dma_start3A_1029 : memref<128x32xf32, #tpu.memory_space<vmem>>) offsets(%dma_start3A_1032 : memref<128xi32, #tpu.memory_space<vmem>>) semaphore(%arg14 : memref<!tpu.dma_semaphore, #tpu.memory_space<semaphore_mem>>)
    %dma_wait3A_1036 = arith.constant 0 : i32
    %dma_wait3A_1037 = arith.constant 0 : i32
    %dma_wait3A_1038 = arith.constant 0 : i32
    %dma_wait3A_1039 = tpu.memref_slice %arg12[%dma_wait3A_1037, %dma_wait3A_1038] : memref<512x32xf32, #tpu.memory_space<vmem>> -> memref<128x32xf32, #tpu.memory_space<vmem>>
    %dma_wait3A_1040 = arith.constant 0 : i32
    %dma_wait3A_1041 = tpu.memref_slice %arg10[%dma_wait3A_1036, %dma_wait3A_1040] : memref<4x128xi32, #tpu.memory_space<vmem>> -> memref<1x128xi32, #tpu.memory_space<vmem>>
    %dma_wait3A_1042 = tpu.memref_squeeze %dma_wait3A_1041 : memref<1x128xi32, #tpu.memory_space<vmem>> -> memref<128xi32, #tpu.memory_space<vmem>>
    %dma_wait3A_1043 = arith.constant 0 : i32
    %dma_wait3A_1044 = arith.constant 0 : i32
    %dma_wait3A_1045 = tpu.memref_slice %arg4[%dma_wait3A_1043, %dma_wait3A_1044] : memref<10000x32xf32, #tpu.memory_space<hbm>> -> memref<10000x32xf32, #tpu.memory_space<hbm>>
    tpu.wait_indirect_dma semaphore(%arg14 : memref<!tpu.dma_semaphore, #tpu.memory_space<semaphore_mem>>) src(%dma_wait3A_1045 : memref<10000x32xf32, #tpu.memory_space<hbm>>) dst(%dma_wait3A_1039 : memref<128x32xf32, #tpu.memory_space<vmem>>)
    %dma_wait3A_1046 = arith.constant 0 : i32
    %dma_wait3A_1047 = arith.constant 0 : i32
    %dma_wait3A_1048 = arith.constant 0 : i32
    %dma_wait3A_1049 = tpu.memref_slice %arg13[%dma_wait3A_1047, %dma_wait3A_1048] : memref<512x32xf32, #tpu.memory_space<vmem>> -> memref<128x32xf32, #tpu.memory_space<vmem>>
    %dma_wait3A_1050 = arith.constant 0 : i32
    %dma_wait3A_1051 = tpu.memref_slice %arg11[%dma_wait3A_1046, %dma_wait3A_1050] : memref<4x128xi32, #tpu.memory_space<vmem>> -> memref<1x128xi32, #tpu.memory_space<vmem>>
    %dma_wait3A_1052 = tpu.memref_squeeze %dma_wait3A_1051 : memref<1x128xi32, #tpu.memory_space<vmem>> -> memref<128xi32, #tpu.memory_space<vmem>>
    %dma_wait3A_1053 = arith.constant 0 : i32
    %dma_wait3A_1054 = arith.constant 0 : i32
    %dma_wait3A_1055 = tpu.memref_slice %arg5[%dma_wait3A_1053, %dma_wait3A_1054] : memref<1000x32xf32, #tpu.memory_space<hbm>> -> memref<1000x32xf32, #tpu.memory_space<hbm>>
    tpu.wait_indirect_dma semaphore(%arg14 : memref<!tpu.dma_semaphore, #tpu.memory_space<semaphore_mem>>) src(%dma_wait3A_1055 : memref<1000x32xf32, #tpu.memory_space<hbm>>) dst(%dma_wait3A_1049 : memref<128x32xf32, #tpu.memory_space<vmem>>)
    %dma_wait3A_1056 = arith.constant 1 : i32
    %dma_wait3A_1057 = arith.constant 128 : i32
    %dma_wait3A_1058 = arith.constant 0 : i32
    %dma_wait3A_1059 = tpu.memref_slice %arg12[%dma_wait3A_1057, %dma_wait3A_1058] : memref<512x32xf32, #tpu.memory_space<vmem>> -> memref<128x32xf32, #tpu.memory_space<vmem>>
    %dma_wait3A_1060 = arith.constant 0 : i32
    %dma_wait3A_1061 = tpu.memref_slice %arg10[%dma_wait3A_1056, %dma_wait3A_1060] : memref<4x128xi32, #tpu.memory_space<vmem>> -> memref<1x128xi32, #tpu.memory_space<vmem>>
    %dma_wait3A_1062 = tpu.memref_squeeze %dma_wait3A_1061 : memref<1x128xi32, #tpu.memory_space<vmem>> -> memref<128xi32, #tpu.memory_space<vmem>>
    %dma_wait3A_1063 = arith.constant 0 : i32
    %dma_wait3A_1064 = arith.constant 0 : i32
    %dma_wait3A_1065 = tpu.memref_slice %arg4[%dma_wait3A_1063, %dma_wait3A_1064] : memref<10000x32xf32, #tpu.memory_space<hbm>> -> memref<10000x32xf32, #tpu.memory_space<hbm>>
    tpu.wait_indirect_dma semaphore(%arg14 : memref<!tpu.dma_semaphore, #tpu.memory_space<semaphore_mem>>) src(%dma_wait3A_1065 : memref<10000x32xf32, #tpu.memory_space<hbm>>) dst(%dma_wait3A_1059 : memref<128x32xf32, #tpu.memory_space<vmem>>)
    %dma_wait3A_1066 = arith.constant 1 : i32
    %dma_wait3A_1067 = arith.constant 128 : i32
    %dma_wait3A_1068 = arith.constant 0 : i32
    %dma_wait3A_1069 = tpu.memref_slice %arg13[%dma_wait3A_1067, %dma_wait3A_1068] : memref<512x32xf32, #tpu.memory_space<vmem>> -> memref<128x32xf32, #tpu.memory_space<vmem>>
    %dma_wait3A_1070 = arith.constant 0 : i32
    %dma_wait3A_1071 = tpu.memref_slice %arg11[%dma_wait3A_1066, %dma_wait3A_1070] : memref<4x128xi32, #tpu.memory_space<vmem>> -> memref<1x128xi32, #tpu.memory_space<vmem>>
    %dma_wait3A_1072 = tpu.memref_squeeze %dma_wait3A_1071 : memref<1x128xi32, #tpu.memory_space<vmem>> -> memref<128xi32, #tpu.memory_space<vmem>>
    %dma_wait3A_1073 = arith.constant 0 : i32
    %dma_wait3A_1074 = arith.constant 0 : i32
    %dma_wait3A_1075 = tpu.memref_slice %arg5[%dma_wait3A_1073, %dma_wait3A_1074] : memref<1000x32xf32, #tpu.memory_space<hbm>> -> memref<1000x32xf32, #tpu.memory_space<hbm>>
    tpu.wait_indirect_dma semaphore(%arg14 : memref<!tpu.dma_semaphore, #tpu.memory_space<semaphore_mem>>) src(%dma_wait3A_1075 : memref<1000x32xf32, #tpu.memory_space<hbm>>) dst(%dma_wait3A_1069 : memref<128x32xf32, #tpu.memory_space<vmem>>)
    %dma_wait3A_1076 = arith.constant 2 : i32
    %dma_wait3A_1077 = arith.constant 256 : i32
    %dma_wait3A_1078 = arith.constant 0 : i32
    %dma_wait3A_1079 = tpu.memref_slice %arg12[%dma_wait3A_1077, %dma_wait3A_1078] : memref<512x32xf32, #tpu.memory_space<vmem>> -> memref<128x32xf32, #tpu.memory_space<vmem>>
    %dma_wait3A_1080 = arith.constant 0 : i32
    %dma_wait3A_1081 = tpu.memref_slice %arg10[%dma_wait3A_1076, %dma_wait3A_1080] : memref<4x128xi32, #tpu.memory_space<vmem>> -> memref<1x128xi32, #tpu.memory_space<vmem>>
    %dma_wait3A_1082 = tpu.memref_squeeze %dma_wait3A_1081 : memref<1x128xi32, #tpu.memory_space<vmem>> -> memref<128xi32, #tpu.memory_space<vmem>>
    %dma_wait3A_1083 = arith.constant 0 : i32
    %dma_wait3A_1084 = arith.constant 0 : i32
    %dma_wait3A_1085 = tpu.memref_slice %arg4[%dma_wait3A_1083, %dma_wait3A_1084] : memref<10000x32xf32, #tpu.memory_space<hbm>> -> memref<10000x32xf32, #tpu.memory_space<hbm>>
    tpu.wait_indirect_dma semaphore(%arg14 : memref<!tpu.dma_semaphore, #tpu.memory_space<semaphore_mem>>) src(%dma_wait3A_1085 : memref<10000x32xf32, #tpu.memory_space<hbm>>) dst(%dma_wait3A_1079 : memref<128x32xf32, #tpu.memory_space<vmem>>)
    %dma_wait3A_1086 = arith.constant 2 : i32
    %dma_wait3A_1087 = arith.constant 256 : i32
    %dma_wait3A_1088 = arith.constant 0 : i32
    %dma_wait3A_1089 = tpu.memref_slice %arg13[%dma_wait3A_1087, %dma_wait3A_1088] : memref<512x32xf32, #tpu.memory_space<vmem>> -> memref<128x32xf32, #tpu.memory_space<vmem>>
    %dma_wait3A_1090 = arith.constant 0 : i32
    %dma_wait3A_1091 = tpu.memref_slice %arg11[%dma_wait3A_1086, %dma_wait3A_1090] : memref<4x128xi32, #tpu.memory_space<vmem>> -> memref<1x128xi32, #tpu.memory_space<vmem>>
    %dma_wait3A_1092 = tpu.memref_squeeze %dma_wait3A_1091 : memref<1x128xi32, #tpu.memory_space<vmem>> -> memref<128xi32, #tpu.memory_space<vmem>>
    %dma_wait3A_1093 = arith.constant 0 : i32
    %dma_wait3A_1094 = arith.constant 0 : i32
    %dma_wait3A_1095 = tpu.memref_slice %arg5[%dma_wait3A_1093, %dma_wait3A_1094] : memref<1000x32xf32, #tpu.memory_space<hbm>> -> memref<1000x32xf32, #tpu.memory_space<hbm>>
    tpu.wait_indirect_dma semaphore(%arg14 : memref<!tpu.dma_semaphore, #tpu.memory_space<semaphore_mem>>) src(%dma_wait3A_1095 : memref<1000x32xf32, #tpu.memory_space<hbm>>) dst(%dma_wait3A_1089 : memref<128x32xf32, #tpu.memory_space<vmem>>)
    %dma_wait3A_1096 = arith.constant 3 : i32
    %dma_wait3A_1097 = arith.constant 384 : i32
    %dma_wait3A_1098 = arith.constant 0 : i32
    %dma_wait3A_1099 = tpu.memref_slice %arg12[%dma_wait3A_1097, %dma_wait3A_1098] : memref<512x32xf32, #tpu.memory_space<vmem>> -> memref<128x32xf32, #tpu.memory_space<vmem>>
    %dma_wait3A_1100 = arith.constant 0 : i32
    %dma_wait3A_1101 = tpu.memref_slice %arg10[%dma_wait3A_1096, %dma_wait3A_1100] : memref<4x128xi32, #tpu.memory_space<vmem>> -> memref<1x128xi32, #tpu.memory_space<vmem>>
    %dma_wait3A_1102 = tpu.memref_squeeze %dma_wait3A_1101 : memref<1x128xi32, #tpu.memory_space<vmem>> -> memref<128xi32, #tpu.memory_space<vmem>>
    %dma_wait3A_1103 = arith.constant 0 : i32
    %dma_wait3A_1104 = arith.constant 0 : i32
    %dma_wait3A_1105 = tpu.memref_slice %arg4[%dma_wait3A_1103, %dma_wait3A_1104] : memref<10000x32xf32, #tpu.memory_space<hbm>> -> memref<10000x32xf32, #tpu.memory_space<hbm>>
    tpu.wait_indirect_dma semaphore(%arg14 : memref<!tpu.dma_semaphore, #tpu.memory_space<semaphore_mem>>) src(%dma_wait3A_1105 : memref<10000x32xf32, #tpu.memory_space<hbm>>) dst(%dma_wait3A_1099 : memref<128x32xf32, #tpu.memory_space<vmem>>)
    %dma_wait3A_1106 = arith.constant 3 : i32
    %dma_wait3A_1107 = arith.constant 384 : i32
    %dma_wait3A_1108 = arith.constant 0 : i32
    %dma_wait3A_1109 = tpu.memref_slice %arg13[%dma_wait3A_1107, %dma_wait3A_1108] : memref<512x32xf32, #tpu.memory_space<vmem>> -> memref<128x32xf32, #tpu.memory_space<vmem>>
    %dma_wait3A_1110 = arith.constant 0 : i32
    %dma_wait3A_1111 = tpu.memref_slice %arg11[%dma_wait3A_1106, %dma_wait3A_1110] : memref<4x128xi32, #tpu.memory_space<vmem>> -> memref<1x128xi32, #tpu.memory_space<vmem>>
    %dma_wait3A_1112 = tpu.memref_squeeze %dma_wait3A_1111 : memref<1x128xi32, #tpu.memory_space<vmem>> -> memref<128xi32, #tpu.memory_space<vmem>>
    %dma_wait3A_1113 = arith.constant 0 : i32
    %dma_wait3A_1114 = arith.constant 0 : i32
    %dma_wait3A_1115 = tpu.memref_slice %arg5[%dma_wait3A_1113, %dma_wait3A_1114] : memref<1000x32xf32, #tpu.memory_space<hbm>> -> memref<1000x32xf32, #tpu.memory_space<hbm>>
    tpu.wait_indirect_dma semaphore(%arg14 : memref<!tpu.dma_semaphore, #tpu.memory_space<semaphore_mem>>) src(%dma_wait3A_1115 : memref<1000x32xf32, #tpu.memory_space<hbm>>) dst(%dma_wait3A_1109 : memref<128x32xf32, #tpu.memory_space<vmem>>)
    %mul3A_1116 = arith.constant 512 : i32
    %mul3A_1117 = arith.muli %mul3A_1116, %add3A : i32
    "tpu.region"() ({
      %run_scoped3A = tpu.sem_alloc : memref<!tpu.dma_semaphore, #tpu.memory_space<semaphore_mem>>
      %dma_start3A_1120 = arith.constant 0 : i32
      %dma_start3A_1121 = tpu.memref_slice %arg6[%mul3A_1117, %dma_start3A_1120] : memref<16384x32xf32, #tpu.memory_space<hbm>> -> memref<512x32xf32, #tpu.memory_space<hbm>>
      %dma_start3A_1122 = arith.constant 0 : i32
      %dma_start3A_1123 = tpu.memref_slice %arg6[%mul3A_1117, %dma_start3A_1122] : memref<16384x32xf32, #tpu.memory_space<hbm>> -> memref<512x32xf32, #tpu.memory_space<hbm>>
      tpu.enqueue_dma source(%arg12 : memref<512x32xf32, #tpu.memory_space<vmem>>) target(%dma_start3A_1123 : memref<512x32xf32, #tpu.memory_space<hbm>>) target_semaphore(%run_scoped3A : memref<!tpu.dma_semaphore, #tpu.memory_space<semaphore_mem>>)
      %dma_wait3A_1124 = arith.constant 0 : i32
      %dma_wait3A_1125 = tpu.memref_slice %arg6[%mul3A_1117, %dma_wait3A_1124] : memref<16384x32xf32, #tpu.memory_space<hbm>> -> memref<512x32xf32, #tpu.memory_space<hbm>>
      %dma_wait3A_1126 = arith.constant 0 : i32
      %dma_wait3A_1127 = tpu.memref_slice %arg6[%mul3A_1117, %dma_wait3A_1126] : memref<16384x32xf32, #tpu.memory_space<hbm>> -> memref<512x32xf32, #tpu.memory_space<hbm>>
      tpu.wait_dma2 semaphore(%run_scoped3A : memref<!tpu.dma_semaphore, #tpu.memory_space<semaphore_mem>>) src(%arg12 : memref<512x32xf32, #tpu.memory_space<vmem>>) dst(%dma_wait3A_1127 : memref<512x32xf32, #tpu.memory_space<hbm>>)
      tpu.yield
    }) : () -> ()
    %mul3A_1118 = arith.constant 512 : i32
    %mul3A_1119 = arith.muli %mul3A_1118, %add3A : i32
    "tpu.region"() ({
      %run_scoped3A = tpu.sem_alloc : memref<!tpu.dma_semaphore, #tpu.memory_space<semaphore_mem>>
      %dma_start3A_1120 = arith.constant 0 : i32
      %dma_start3A_1121 = tpu.memref_slice %arg7[%mul3A_1119, %dma_start3A_1120] : memref<16384x32xf32, #tpu.memory_space<hbm>> -> memref<512x32xf32, #tpu.memory_space<hbm>>
      %dma_start3A_1122 = arith.constant 0 : i32
      %dma_start3A_1123 = tpu.memref_slice %arg7[%mul3A_1119, %dma_start3A_1122] : memref<16384x32xf32, #tpu.memory_space<hbm>> -> memref<512x32xf32, #tpu.memory_space<hbm>>
      tpu.enqueue_dma source(%arg13 : memref<512x32xf32, #tpu.memory_space<vmem>>) target(%dma_start3A_1123 : memref<512x32xf32, #tpu.memory_space<hbm>>) target_semaphore(%run_scoped3A : memref<!tpu.dma_semaphore, #tpu.memory_space<semaphore_mem>>)
      %dma_wait3A_1124 = arith.constant 0 : i32
      %dma_wait3A_1125 = tpu.memref_slice %arg7[%mul3A_1119, %dma_wait3A_1124] : memref<16384x32xf32, #tpu.memory_space<hbm>> -> memref<512x32xf32, #tpu.memory_space<hbm>>
      %dma_wait3A_1126 = arith.constant 0 : i32
      %dma_wait3A_1127 = tpu.memref_slice %arg7[%mul3A_1119, %dma_wait3A_1126] : memref<16384x32xf32, #tpu.memory_space<hbm>> -> memref<512x32xf32, #tpu.memory_space<hbm>>
      tpu.wait_dma2 semaphore(%run_scoped3A : memref<!tpu.dma_semaphore, #tpu.memory_space<semaphore_mem>>) src(%arg13 : memref<512x32xf32, #tpu.memory_space<vmem>>) dst(%dma_wait3A_1127 : memref<512x32xf32, #tpu.memory_space<hbm>>)
      tpu.yield
    }) : () -> ()
    return
  }
}

module attributes {stable_mosaic.version = 14 : i64} {
  func.func @_mlp_body(%arg0: i32, %arg1: memref<1024x128xf32, #tpu.memory_space<vmem>>, %arg2: memref<1024x128xf32, #tpu.memory_space<vmem>>, %arg3: memref<128x96xf32, #tpu.memory_space<vmem>>, %arg4: memref<128xf32, #tpu.memory_space<vmem>>, %arg5: memref<128x128xf32, #tpu.memory_space<vmem>>, %arg6: memref<128xf32, #tpu.memory_space<vmem>>, %arg7: memref<20x128xf32, #tpu.memory_space<vmem>>, %arg8: memref<20xf32, #tpu.memory_space<vmem>>, %arg9: memref<5x20xf32, #tpu.memory_space<vmem>>, %arg10: memref<5xf32, #tpu.memory_space<vmem>>, %arg11: memref<4x1024x5xf32, #tpu.memory_space<vmem>>) attributes {dimension_semantics = [#tpu.dimension_semantics<arbitrary>], iteration_bounds = array<i64: 4>, scalar_prefetch = 0 : i64, scratch_operands = 0 : i64, tpu.core_type = #tpu.core_type<tc>, window_params = [{transform_indices = @transform_0, window_bounds = array<i64: 1024, 128>}, {transform_indices = @transform_1, window_bounds = array<i64: 1024, 128>}, {pipeline_mode = #tpu.pipeline_mode<synchronous>, transform_indices = @transform_2, window_bounds = array<i64: 128, 96>}, {pipeline_mode = #tpu.pipeline_mode<synchronous>, transform_indices = @transform_3, window_bounds = array<i64: 128>}, {pipeline_mode = #tpu.pipeline_mode<synchronous>, transform_indices = @transform_4, window_bounds = array<i64: 128, 128>}, {pipeline_mode = #tpu.pipeline_mode<synchronous>, transform_indices = @transform_5, window_bounds = array<i64: 128>}, {pipeline_mode = #tpu.pipeline_mode<synchronous>, transform_indices = @transform_6, window_bounds = array<i64: 20, 128>}, {pipeline_mode = #tpu.pipeline_mode<synchronous>, transform_indices = @transform_7, window_bounds = array<i64: 20>}, {pipeline_mode = #tpu.pipeline_mode<synchronous>, transform_indices = @transform_8, window_bounds = array<i64: 5, 20>}, {pipeline_mode = #tpu.pipeline_mode<synchronous>, transform_indices = @transform_9, window_bounds = array<i64: 5>}, {transform_indices = @transform_10, window_bounds = array<i64: 4, 1024, 5>}]} {
    %get3A = arith.constant 0 : index
    %get3A_0 = arith.constant 0 : index
    %get3A_1 = vector.load %arg1[%get3A, %get3A_0] : memref<1024x128xf32, #tpu.memory_space<vmem>>, vector<1024x128xf32>
    %get3A_2 = arith.constant 0 : index
    %get3A_3 = arith.constant 0 : index
    %get3A_4 = vector.load %arg2[%get3A_2, %get3A_3] : memref<1024x128xf32, #tpu.memory_space<vmem>>, vector<1024x128xf32>
    %get3A_5 = arith.constant 0 : index
    %get3A_6 = arith.constant 0 : index
    %get3A_7 = vector.load %arg3[%get3A_5, %get3A_6] : memref<128x96xf32, #tpu.memory_space<vmem>>, vector<128x96xf32>
    %get3A_8 = arith.constant 0 : index
    %get3A_9 = vector.load %arg4[%get3A_8] : memref<128xf32, #tpu.memory_space<vmem>>, vector<128xf32>
    %broadcast_in_dim3A = vector.shape_cast %get3A_9 : vector<128xf32> to vector<1x128xf32>
    %get3A_10 = arith.constant 0 : index
    %get3A_11 = vector.load %arg6[%get3A_10] : memref<128xf32, #tpu.memory_space<vmem>>, vector<128xf32>
    %broadcast_in_dim3A_12 = vector.shape_cast %get3A_11 : vector<128xf32> to vector<1x128xf32>
    %get3A_13 = arith.constant 0 : index
    %get3A_14 = vector.load %arg8[%get3A_13] : memref<20xf32, #tpu.memory_space<vmem>>, vector<20xf32>
    %broadcast_in_dim3A_15 = vector.shape_cast %get3A_14 : vector<20xf32> to vector<1x20xf32>
    %get3A_16 = arith.constant 0 : index
    %get3A_17 = vector.load %arg10[%get3A_16] : memref<5xf32, #tpu.memory_space<vmem>>, vector<5xf32>
    %broadcast_in_dim3A_18 = vector.shape_cast %get3A_17 : vector<5xf32> to vector<1x5xf32>
    %slice3A = vector.extract_strided_slice %get3A_1 {offsets = [0, 0], sizes = [1024, 32], strides = [1, 1]} : vector<1024x128xf32> to vector<1024x32xf32>
    %slice3A_19 = vector.extract_strided_slice %get3A_4 {offsets = [0, 0], sizes = [1024, 32], strides = [1, 1]} : vector<1024x128xf32> to vector<1024x32xf32>
    %mul3A = arith.mulf %slice3A, %slice3A_19 : vector<1024x32xf32>
    %concatenate3A = tpu.concatenate %slice3A, %slice3A_19, %mul3A in 1 : vector<1024x32xf32>, vector<1024x32xf32>, vector<1024x32xf32> -> vector<1024x96xf32>
    %dot_general3A = arith.constant dense<0.000000e+00> : vector<1024x128xf32>
    %dot_general3A_20 = tpu.matmul %concatenate3A, %get3A_7, %dot_general3A {dimension_numbers = #tpu.dot_dimension_numbers<[1], [1], [0], [0], [0, 0, 1, 0], [], []>, transpose_lhs_hint = false} : vector<1024x96xf32>, vector<128x96xf32>, vector<1024x128xf32> -> vector<1024x128xf32>
    %add3A = vector.broadcast %broadcast_in_dim3A : vector<1x128xf32> to vector<1024x128xf32>
    %add3A_21 = arith.addf %dot_general3A_20, %add3A : vector<1024x128xf32>
    %max3A = arith.constant 0.000000e+00 : f32
    %max3A_22 = vector.broadcast %max3A : f32 to vector<1024x128xf32>
    %max3A_23 = arith.maximumf %add3A_21, %max3A_22 : vector<1024x128xf32>
    %get3A_24 = arith.constant 0 : index
    %get3A_25 = arith.constant 0 : index
    %get3A_26 = vector.load %arg5[%get3A_24, %get3A_25] : memref<128x128xf32, #tpu.memory_space<vmem>>, vector<128x128xf32>
    %dot_general3A_27 = arith.constant dense<0.000000e+00> : vector<1024x128xf32>
    %dot_general3A_28 = tpu.matmul %max3A_23, %get3A_26, %dot_general3A_27 {dimension_numbers = #tpu.dot_dimension_numbers<[1], [1], [0], [0], [0, 0, 1, 0], [], []>, transpose_lhs_hint = false} : vector<1024x128xf32>, vector<128x128xf32>, vector<1024x128xf32> -> vector<1024x128xf32>
    %add3A_29 = vector.broadcast %broadcast_in_dim3A_12 : vector<1x128xf32> to vector<1024x128xf32>
    %add3A_30 = arith.addf %dot_general3A_28, %add3A_29 : vector<1024x128xf32>
    %max3A_31 = arith.constant 0.000000e+00 : f32
    %max3A_32 = vector.broadcast %max3A_31 : f32 to vector<1024x128xf32>
    %max3A_33 = arith.maximumf %add3A_30, %max3A_32 : vector<1024x128xf32>
    %get3A_34 = arith.constant 0 : index
    %get3A_35 = arith.constant 0 : index
    %get3A_36 = vector.load %arg7[%get3A_34, %get3A_35] : memref<20x128xf32, #tpu.memory_space<vmem>>, vector<20x128xf32>
    %dot_general3A_37 = arith.constant dense<0.000000e+00> : vector<1024x20xf32>
    %dot_general3A_38 = tpu.matmul %max3A_33, %get3A_36, %dot_general3A_37 {dimension_numbers = #tpu.dot_dimension_numbers<[1], [1], [0], [0], [0, 0, 1, 0], [], []>, transpose_lhs_hint = false} : vector<1024x128xf32>, vector<20x128xf32>, vector<1024x20xf32> -> vector<1024x20xf32>
    %add3A_39 = vector.broadcast %broadcast_in_dim3A_15 : vector<1x20xf32> to vector<1024x20xf32>
    %add3A_40 = arith.addf %dot_general3A_38, %add3A_39 : vector<1024x20xf32>
    %max3A_41 = arith.constant 0.000000e+00 : f32
    %max3A_42 = vector.broadcast %max3A_41 : f32 to vector<1024x20xf32>
    %max3A_43 = arith.maximumf %add3A_40, %max3A_42 : vector<1024x20xf32>
    %get3A_44 = arith.constant 0 : index
    %get3A_45 = arith.constant 0 : index
    %get3A_46 = vector.load %arg9[%get3A_44, %get3A_45] : memref<5x20xf32, #tpu.memory_space<vmem>>, vector<5x20xf32>
    %dot_general3A_47 = arith.constant dense<0.000000e+00> : vector<1024x5xf32>
    %dot_general3A_48 = tpu.matmul %max3A_43, %get3A_46, %dot_general3A_47 {dimension_numbers = #tpu.dot_dimension_numbers<[1], [1], [0], [0], [0, 0, 1, 0], [], []>, transpose_lhs_hint = false} : vector<1024x20xf32>, vector<5x20xf32>, vector<1024x5xf32> -> vector<1024x5xf32>
    %add3A_49 = vector.broadcast %broadcast_in_dim3A_18 : vector<1x5xf32> to vector<1024x5xf32>
    %add3A_50 = arith.addf %dot_general3A_48, %add3A_49 : vector<1024x5xf32>
    %swap3A = arith.constant 0 : index
    %swap3A_51 = arith.constant 0 : index
    %swap3A_52 = arith.constant 0 : index
    %swap3A_53 = vector.load %arg11[%swap3A, %swap3A_51, %swap3A_52] : memref<4x1024x5xf32, #tpu.memory_space<vmem>>, vector<1x1024x5xf32>
    %swap3A_54 = vector.shape_cast %swap3A_53 : vector<1x1024x5xf32> to vector<1024x5xf32>
    %swap3A_55 = vector.shape_cast %add3A_50 : vector<1024x5xf32> to vector<1x1024x5xf32>
    tpu.vector_store %arg11[%swap3A, %swap3A_51, %swap3A_52], %swap3A_55 {strides = array<i32>} : memref<4x1024x5xf32, #tpu.memory_space<vmem>>, vector<1x1024x5xf32>,
    %slice3A_56 = vector.extract_strided_slice %get3A_1 {offsets = [0, 32], sizes = [1024, 32], strides = [1, 1]} : vector<1024x128xf32> to vector<1024x32xf32>
    %slice3A_57 = vector.extract_strided_slice %get3A_4 {offsets = [0, 32], sizes = [1024, 32], strides = [1, 1]} : vector<1024x128xf32> to vector<1024x32xf32>
    %mul3A_58 = arith.mulf %slice3A_56, %slice3A_57 : vector<1024x32xf32>
    %concatenate3A_59 = tpu.concatenate %slice3A_56, %slice3A_57, %mul3A_58 in 1 : vector<1024x32xf32>, vector<1024x32xf32>, vector<1024x32xf32> -> vector<1024x96xf32>
    %dot_general3A_60 = arith.constant dense<0.000000e+00> : vector<1024x128xf32>
    %dot_general3A_61 = tpu.matmul %concatenate3A_59, %get3A_7, %dot_general3A_60 {dimension_numbers = #tpu.dot_dimension_numbers<[1], [1], [0], [0], [0, 0, 1, 0], [], []>, transpose_lhs_hint = false} : vector<1024x96xf32>, vector<128x96xf32>, vector<1024x128xf32> -> vector<1024x128xf32>
    %add3A_62 = vector.broadcast %broadcast_in_dim3A : vector<1x128xf32> to vector<1024x128xf32>
    %add3A_63 = arith.addf %dot_general3A_61, %add3A_62 : vector<1024x128xf32>
    %max3A_64 = arith.constant 0.000000e+00 : f32
    %max3A_65 = vector.broadcast %max3A_64 : f32 to vector<1024x128xf32>
    %max3A_66 = arith.maximumf %add3A_63, %max3A_65 : vector<1024x128xf32>
    %get3A_67 = arith.constant 0 : index
    %get3A_68 = arith.constant 0 : index
    %get3A_69 = vector.load %arg5[%get3A_67, %get3A_68] : memref<128x128xf32, #tpu.memory_space<vmem>>, vector<128x128xf32>
    %dot_general3A_70 = arith.constant dense<0.000000e+00> : vector<1024x128xf32>
    %dot_general3A_71 = tpu.matmul %max3A_66, %get3A_69, %dot_general3A_70 {dimension_numbers = #tpu.dot_dimension_numbers<[1], [1], [0], [0], [0, 0, 1, 0], [], []>, transpose_lhs_hint = false} : vector<1024x128xf32>, vector<128x128xf32>, vector<1024x128xf32> -> vector<1024x128xf32>
    %add3A_72 = vector.broadcast %broadcast_in_dim3A_12 : vector<1x128xf32> to vector<1024x128xf32>
    %add3A_73 = arith.addf %dot_general3A_71, %add3A_72 : vector<1024x128xf32>
    %max3A_74 = arith.constant 0.000000e+00 : f32
    %max3A_75 = vector.broadcast %max3A_74 : f32 to vector<1024x128xf32>
    %max3A_76 = arith.maximumf %add3A_73, %max3A_75 : vector<1024x128xf32>
    %get3A_77 = arith.constant 0 : index
    %get3A_78 = arith.constant 0 : index
    %get3A_79 = vector.load %arg7[%get3A_77, %get3A_78] : memref<20x128xf32, #tpu.memory_space<vmem>>, vector<20x128xf32>
    %dot_general3A_80 = arith.constant dense<0.000000e+00> : vector<1024x20xf32>
    %dot_general3A_81 = tpu.matmul %max3A_76, %get3A_79, %dot_general3A_80 {dimension_numbers = #tpu.dot_dimension_numbers<[1], [1], [0], [0], [0, 0, 1, 0], [], []>, transpose_lhs_hint = false} : vector<1024x128xf32>, vector<20x128xf32>, vector<1024x20xf32> -> vector<1024x20xf32>
    %add3A_82 = vector.broadcast %broadcast_in_dim3A_15 : vector<1x20xf32> to vector<1024x20xf32>
    %add3A_83 = arith.addf %dot_general3A_81, %add3A_82 : vector<1024x20xf32>
    %max3A_84 = arith.constant 0.000000e+00 : f32
    %max3A_85 = vector.broadcast %max3A_84 : f32 to vector<1024x20xf32>
    %max3A_86 = arith.maximumf %add3A_83, %max3A_85 : vector<1024x20xf32>
    %get3A_87 = arith.constant 0 : index
    %get3A_88 = arith.constant 0 : index
    %get3A_89 = vector.load %arg9[%get3A_87, %get3A_88] : memref<5x20xf32, #tpu.memory_space<vmem>>, vector<5x20xf32>
    %dot_general3A_90 = arith.constant dense<0.000000e+00> : vector<1024x5xf32>
    %dot_general3A_91 = tpu.matmul %max3A_86, %get3A_89, %dot_general3A_90 {dimension_numbers = #tpu.dot_dimension_numbers<[1], [1], [0], [0], [0, 0, 1, 0], [], []>, transpose_lhs_hint = false} : vector<1024x20xf32>, vector<5x20xf32>, vector<1024x5xf32> -> vector<1024x5xf32>
    %add3A_92 = vector.broadcast %broadcast_in_dim3A_18 : vector<1x5xf32> to vector<1024x5xf32>
    %add3A_93 = arith.addf %dot_general3A_91, %add3A_92 : vector<1024x5xf32>
    %swap3A_94 = arith.constant 1 : index
    %swap3A_95 = arith.constant 0 : index
    %swap3A_96 = arith.constant 0 : index
    %swap3A_97 = vector.load %arg11[%swap3A_94, %swap3A_95, %swap3A_96] : memref<4x1024x5xf32, #tpu.memory_space<vmem>>, vector<1x1024x5xf32>
    %swap3A_98 = vector.shape_cast %swap3A_97 : vector<1x1024x5xf32> to vector<1024x5xf32>
    %swap3A_99 = vector.shape_cast %add3A_93 : vector<1024x5xf32> to vector<1x1024x5xf32>
    tpu.vector_store %arg11[%swap3A_94, %swap3A_95, %swap3A_96], %swap3A_99 {strides = array<i32>} : memref<4x1024x5xf32, #tpu.memory_space<vmem>>, vector<1x1024x5xf32>,
    %slice3A_100 = vector.extract_strided_slice %get3A_1 {offsets = [0, 64], sizes = [1024, 32], strides = [1, 1]} : vector<1024x128xf32> to vector<1024x32xf32>
    %slice3A_101 = vector.extract_strided_slice %get3A_4 {offsets = [0, 64], sizes = [1024, 32], strides = [1, 1]} : vector<1024x128xf32> to vector<1024x32xf32>
    %mul3A_102 = arith.mulf %slice3A_100, %slice3A_101 : vector<1024x32xf32>
    %concatenate3A_103 = tpu.concatenate %slice3A_100, %slice3A_101, %mul3A_102 in 1 : vector<1024x32xf32>, vector<1024x32xf32>, vector<1024x32xf32> -> vector<1024x96xf32>
    %dot_general3A_104 = arith.constant dense<0.000000e+00> : vector<1024x128xf32>
    %dot_general3A_105 = tpu.matmul %concatenate3A_103, %get3A_7, %dot_general3A_104 {dimension_numbers = #tpu.dot_dimension_numbers<[1], [1], [0], [0], [0, 0, 1, 0], [], []>, transpose_lhs_hint = false} : vector<1024x96xf32>, vector<128x96xf32>, vector<1024x128xf32> -> vector<1024x128xf32>
    %add3A_106 = vector.broadcast %broadcast_in_dim3A : vector<1x128xf32> to vector<1024x128xf32>
    %add3A_107 = arith.addf %dot_general3A_105, %add3A_106 : vector<1024x128xf32>
    %max3A_108 = arith.constant 0.000000e+00 : f32
    %max3A_109 = vector.broadcast %max3A_108 : f32 to vector<1024x128xf32>
    %max3A_110 = arith.maximumf %add3A_107, %max3A_109 : vector<1024x128xf32>
    %get3A_111 = arith.constant 0 : index
    %get3A_112 = arith.constant 0 : index
    %get3A_113 = vector.load %arg5[%get3A_111, %get3A_112] : memref<128x128xf32, #tpu.memory_space<vmem>>, vector<128x128xf32>
    %dot_general3A_114 = arith.constant dense<0.000000e+00> : vector<1024x128xf32>
    %dot_general3A_115 = tpu.matmul %max3A_110, %get3A_113, %dot_general3A_114 {dimension_numbers = #tpu.dot_dimension_numbers<[1], [1], [0], [0], [0, 0, 1, 0], [], []>, transpose_lhs_hint = false} : vector<1024x128xf32>, vector<128x128xf32>, vector<1024x128xf32> -> vector<1024x128xf32>
    %add3A_116 = vector.broadcast %broadcast_in_dim3A_12 : vector<1x128xf32> to vector<1024x128xf32>
    %add3A_117 = arith.addf %dot_general3A_115, %add3A_116 : vector<1024x128xf32>
    %max3A_118 = arith.constant 0.000000e+00 : f32
    %max3A_119 = vector.broadcast %max3A_118 : f32 to vector<1024x128xf32>
    %max3A_120 = arith.maximumf %add3A_117, %max3A_119 : vector<1024x128xf32>
    %get3A_121 = arith.constant 0 : index
    %get3A_122 = arith.constant 0 : index
    %get3A_123 = vector.load %arg7[%get3A_121, %get3A_122] : memref<20x128xf32, #tpu.memory_space<vmem>>, vector<20x128xf32>
    %dot_general3A_124 = arith.constant dense<0.000000e+00> : vector<1024x20xf32>
    %dot_general3A_125 = tpu.matmul %max3A_120, %get3A_123, %dot_general3A_124 {dimension_numbers = #tpu.dot_dimension_numbers<[1], [1], [0], [0], [0, 0, 1, 0], [], []>, transpose_lhs_hint = false} : vector<1024x128xf32>, vector<20x128xf32>, vector<1024x20xf32> -> vector<1024x20xf32>
    %add3A_126 = vector.broadcast %broadcast_in_dim3A_15 : vector<1x20xf32> to vector<1024x20xf32>
    %add3A_127 = arith.addf %dot_general3A_125, %add3A_126 : vector<1024x20xf32>
    %max3A_128 = arith.constant 0.000000e+00 : f32
    %max3A_129 = vector.broadcast %max3A_128 : f32 to vector<1024x20xf32>
    %max3A_130 = arith.maximumf %add3A_127, %max3A_129 : vector<1024x20xf32>
    %get3A_131 = arith.constant 0 : index
    %get3A_132 = arith.constant 0 : index
    %get3A_133 = vector.load %arg9[%get3A_131, %get3A_132] : memref<5x20xf32, #tpu.memory_space<vmem>>, vector<5x20xf32>
    %dot_general3A_134 = arith.constant dense<0.000000e+00> : vector<1024x5xf32>
    %dot_general3A_135 = tpu.matmul %max3A_130, %get3A_133, %dot_general3A_134 {dimension_numbers = #tpu.dot_dimension_numbers<[1], [1], [0], [0], [0, 0, 1, 0], [], []>, transpose_lhs_hint = false} : vector<1024x20xf32>, vector<5x20xf32>, vector<1024x5xf32> -> vector<1024x5xf32>
    %add3A_136 = vector.broadcast %broadcast_in_dim3A_18 : vector<1x5xf32> to vector<1024x5xf32>
    %add3A_137 = arith.addf %dot_general3A_135, %add3A_136 : vector<1024x5xf32>
    %swap3A_138 = arith.constant 2 : index
    %swap3A_139 = arith.constant 0 : index
    %swap3A_140 = arith.constant 0 : index
    %swap3A_141 = vector.load %arg11[%swap3A_138, %swap3A_139, %swap3A_140] : memref<4x1024x5xf32, #tpu.memory_space<vmem>>, vector<1x1024x5xf32>
    %swap3A_142 = vector.shape_cast %swap3A_141 : vector<1x1024x5xf32> to vector<1024x5xf32>
    %swap3A_143 = vector.shape_cast %add3A_137 : vector<1024x5xf32> to vector<1x1024x5xf32>
    tpu.vector_store %arg11[%swap3A_138, %swap3A_139, %swap3A_140], %swap3A_143 {strides = array<i32>} : memref<4x1024x5xf32, #tpu.memory_space<vmem>>, vector<1x1024x5xf32>,
    %slice3A_144 = vector.extract_strided_slice %get3A_1 {offsets = [0, 96], sizes = [1024, 32], strides = [1, 1]} : vector<1024x128xf32> to vector<1024x32xf32>
    %slice3A_145 = vector.extract_strided_slice %get3A_4 {offsets = [0, 96], sizes = [1024, 32], strides = [1, 1]} : vector<1024x128xf32> to vector<1024x32xf32>
    %mul3A_146 = arith.mulf %slice3A_144, %slice3A_145 : vector<1024x32xf32>
    %concatenate3A_147 = tpu.concatenate %slice3A_144, %slice3A_145, %mul3A_146 in 1 : vector<1024x32xf32>, vector<1024x32xf32>, vector<1024x32xf32> -> vector<1024x96xf32>
    %dot_general3A_148 = arith.constant dense<0.000000e+00> : vector<1024x128xf32>
    %dot_general3A_149 = tpu.matmul %concatenate3A_147, %get3A_7, %dot_general3A_148 {dimension_numbers = #tpu.dot_dimension_numbers<[1], [1], [0], [0], [0, 0, 1, 0], [], []>, transpose_lhs_hint = false} : vector<1024x96xf32>, vector<128x96xf32>, vector<1024x128xf32> -> vector<1024x128xf32>
    %add3A_150 = vector.broadcast %broadcast_in_dim3A : vector<1x128xf32> to vector<1024x128xf32>
    %add3A_151 = arith.addf %dot_general3A_149, %add3A_150 : vector<1024x128xf32>
    %max3A_152 = arith.constant 0.000000e+00 : f32
    %max3A_153 = vector.broadcast %max3A_152 : f32 to vector<1024x128xf32>
    %max3A_154 = arith.maximumf %add3A_151, %max3A_153 : vector<1024x128xf32>
    %get3A_155 = arith.constant 0 : index
    %get3A_156 = arith.constant 0 : index
    %get3A_157 = vector.load %arg5[%get3A_155, %get3A_156] : memref<128x128xf32, #tpu.memory_space<vmem>>, vector<128x128xf32>
    %dot_general3A_158 = arith.constant dense<0.000000e+00> : vector<1024x128xf32>
    %dot_general3A_159 = tpu.matmul %max3A_154, %get3A_157, %dot_general3A_158 {dimension_numbers = #tpu.dot_dimension_numbers<[1], [1], [0], [0], [0, 0, 1, 0], [], []>, transpose_lhs_hint = false} : vector<1024x128xf32>, vector<128x128xf32>, vector<1024x128xf32> -> vector<1024x128xf32>
    %add3A_160 = vector.broadcast %broadcast_in_dim3A_12 : vector<1x128xf32> to vector<1024x128xf32>
    %add3A_161 = arith.addf %dot_general3A_159, %add3A_160 : vector<1024x128xf32>
    %max3A_162 = arith.constant 0.000000e+00 : f32
    %max3A_163 = vector.broadcast %max3A_162 : f32 to vector<1024x128xf32>
    %max3A_164 = arith.maximumf %add3A_161, %max3A_163 : vector<1024x128xf32>
    %get3A_165 = arith.constant 0 : index
    %get3A_166 = arith.constant 0 : index
    %get3A_167 = vector.load %arg7[%get3A_165, %get3A_166] : memref<20x128xf32, #tpu.memory_space<vmem>>, vector<20x128xf32>
    %dot_general3A_168 = arith.constant dense<0.000000e+00> : vector<1024x20xf32>
    %dot_general3A_169 = tpu.matmul %max3A_164, %get3A_167, %dot_general3A_168 {dimension_numbers = #tpu.dot_dimension_numbers<[1], [1], [0], [0], [0, 0, 1, 0], [], []>, transpose_lhs_hint = false} : vector<1024x128xf32>, vector<20x128xf32>, vector<1024x20xf32> -> vector<1024x20xf32>
    %add3A_170 = vector.broadcast %broadcast_in_dim3A_15 : vector<1x20xf32> to vector<1024x20xf32>
    %add3A_171 = arith.addf %dot_general3A_169, %add3A_170 : vector<1024x20xf32>
    %max3A_172 = arith.constant 0.000000e+00 : f32
    %max3A_173 = vector.broadcast %max3A_172 : f32 to vector<1024x20xf32>
    %max3A_174 = arith.maximumf %add3A_171, %max3A_173 : vector<1024x20xf32>
    %get3A_175 = arith.constant 0 : index
    %get3A_176 = arith.constant 0 : index
    %get3A_177 = vector.load %arg9[%get3A_175, %get3A_176] : memref<5x20xf32, #tpu.memory_space<vmem>>, vector<5x20xf32>
    %dot_general3A_178 = arith.constant dense<0.000000e+00> : vector<1024x5xf32>
    %dot_general3A_179 = tpu.matmul %max3A_174, %get3A_177, %dot_general3A_178 {dimension_numbers = #tpu.dot_dimension_numbers<[1], [1], [0], [0], [0, 0, 1, 0], [], []>, transpose_lhs_hint = false} : vector<1024x20xf32>, vector<5x20xf32>, vector<1024x5xf32> -> vector<1024x5xf32>
    %add3A_180 = vector.broadcast %broadcast_in_dim3A_18 : vector<1x5xf32> to vector<1024x5xf32>
    %add3A_181 = arith.addf %dot_general3A_179, %add3A_180 : vector<1024x5xf32>
    %swap3A_182 = arith.constant 3 : index
    %swap3A_183 = arith.constant 0 : index
    %swap3A_184 = arith.constant 0 : index
    %swap3A_185 = vector.load %arg11[%swap3A_182, %swap3A_183, %swap3A_184] : memref<4x1024x5xf32, #tpu.memory_space<vmem>>, vector<1x1024x5xf32>
    %swap3A_186 = vector.shape_cast %swap3A_185 : vector<1x1024x5xf32> to vector<1024x5xf32>
    %swap3A_187 = vector.shape_cast %add3A_181 : vector<1024x5xf32> to vector<1x1024x5xf32>
    tpu.vector_store %arg11[%swap3A_182, %swap3A_183, %swap3A_184], %swap3A_187 {strides = array<i32>} : memref<4x1024x5xf32, #tpu.memory_space<vmem>>, vector<1x1024x5xf32>,
    return
  }
  func.func @transform_0(%arg0: i32) -> (i32, i32) {
    %c0_i32 = arith.constant 0 : i32
    %c0_i32_0 = arith.constant 0 : i32
    return %arg0, %c0_i32 : i32, i32
  }
  func.func @transform_1(%arg0: i32) -> (i32, i32) {
    %c0_i32 = arith.constant 0 : i32
    %c0_i32_0 = arith.constant 0 : i32
    return %arg0, %c0_i32 : i32, i32
  }
  func.func @transform_2(%arg0: i32) -> (i32, i32) {
    %c0_i32 = arith.constant 0 : i32
    %c0_i32_0 = arith.constant 0 : i32
    %c0_i32_1 = arith.constant 0 : i32
    return %c0_i32, %c0_i32_0 : i32, i32
  }
  func.func @transform_3(%arg0: i32) -> i32 {
    %c0_i32 = arith.constant 0 : i32
    %c0_i32_0 = arith.constant 0 : i32
    return %c0_i32 : i32
  }
  func.func @transform_4(%arg0: i32) -> (i32, i32) {
    %c0_i32 = arith.constant 0 : i32
    %c0_i32_0 = arith.constant 0 : i32
    %c0_i32_1 = arith.constant 0 : i32
    return %c0_i32, %c0_i32_0 : i32, i32
  }
  func.func @transform_5(%arg0: i32) -> i32 {
    %c0_i32 = arith.constant 0 : i32
    %c0_i32_0 = arith.constant 0 : i32
    return %c0_i32 : i32
  }
  func.func @transform_6(%arg0: i32) -> (i32, i32) {
    %c0_i32 = arith.constant 0 : i32
    %c0_i32_0 = arith.constant 0 : i32
    %c0_i32_1 = arith.constant 0 : i32
    return %c0_i32, %c0_i32_0 : i32, i32
  }
  func.func @transform_7(%arg0: i32) -> i32 {
    %c0_i32 = arith.constant 0 : i32
    %c0_i32_0 = arith.constant 0 : i32
    return %c0_i32 : i32
  }
  func.func @transform_8(%arg0: i32) -> (i32, i32) {
    %c0_i32 = arith.constant 0 : i32
    %c0_i32_0 = arith.constant 0 : i32
    %c0_i32_1 = arith.constant 0 : i32
    return %c0_i32, %c0_i32_0 : i32, i32
  }
  func.func @transform_9(%arg0: i32) -> i32 {
    %c0_i32 = arith.constant 0 : i32
    %c0_i32_0 = arith.constant 0 : i32
    return %c0_i32 : i32
  }
  func.func @transform_10(%arg0: i32) -> (i32, i32, i32) {
    %c0_i32 = arith.constant 0 : i32
    %c0_i32_0 = arith.constant 0 : i32
    %c0_i32_1 = arith.constant 0 : i32
    return %c0_i32, %arg0, %c0_i32_0 : i32, i32, i32
  }
}

</mosaic_0001>

<sc_bundles>
// kernel: kernel.4.cloned.1.call-start
scs
__scs_entry_jumppad:
0x0: {  	(pc) =	sbr.rel $0x88, $3  }
0x1: {  	(tag) =	ssettag $0x0;
	lr =	simm.s32 $0x1  }
0x2: {  	[smem:$0x3F95] =	sst lr;
	_ =	strace $0xD0000000  }
0x3: {  	_ = 	snop  }
0x4: {  	_ = 	snop  }
0x5: {  	_ = 	snop  }
0x6: {  	_ = 	snop  }
0x7: {  	_ = 	snop  }
__scs_overlays_trampoline_lowered:
0x8: {  	[smem:$0x3FA4] =	sst s0  }
0x9: {  	[smem:$0x3FA5] =	sst s1  }
0xa: {  	[smem:$0x3FA6] =	sst s2  }
0xb: {  	[smem:$0x3FA7] =	sst s3  }
0xc: {  	[smem:$0x3FA8] =	sst s4  }
0xd: {  	[smem:$0x3FA9] =	sst s5  }
0xe: {  	[smem:$0x3FAA] =	sst s6  }
0xf: {  	[smem:$0x3FAB] =	sst s7  }
0x10: {  	[smem:$0x3FAC] =	sst s8  }
0x11: {  	[smem:$0x3FAD] =	sst s9;
	s0 =	simm.s32 @!p0 $0x0  }
0x12: {  	s1 =	sld [smem:$0x3F93];
	s0 =	simm.s32 @p0 $0x1  }
0x13: {  	[smem:$0x3FAE] =	sst s0;
	s0 =	simm.s32 @!p1 $0x0  }
0x14: {  	s2 =	sld [smem:$0x3F92];
	s0 =	simm.s32 @p1 $0x1  }
0x15: {  	[smem:$0x3FAF] =	sst s0;
	s0 =	simm.s32 @!p2 $0x0  }
0x16: {  	s3 =	sld [smem:$0x3FDB];
	s0 =	simm.s32 @p2 $0x1  }
0x17: {  	s4 =	simm.s32 $0x1BF5;
	[smem:$0x3FB1] =	sst s0  }
0x18: {  	s0 =	sld [smem:$0x3F94];
	_ =	swait.ge [sflag:s4], $0x0  }
0x19: {  	s7 =	sld [smem:$0x3F95]  }
0x1a: {  	s8 =	sadd.s32 $0xFFFFE003, lr  }
0x1b: {  	s9 =	sadd.s32 $0xFFFFFEF7, lr;
	s5 =	simm.s32 $0xFFFFFFFF;
	p2 =	slt.u32 s8, $0xFFFFF086  }
0x1c: {  	p1 =	slt.u32 s9, $0xF7A;
	s5 =	simm.s32 @!p2 $0x0  }
0x1d: {  	s5 =	simm.s32 @p1 $0x1;
	p0 =	seq.s32 s7, s2  }
0x1e: {  	s7 =	smul.u32 @!p0 $0xF7A, s2;
	p2 =	seq.s32 @!p0 s5, $0x0  }
0x1f: {  	s9 =	smul.u32 $0xF7A, s1;
	s8 =	simm.s32 @!p0 $0x1BF5;
	p2 =	por !p2, p0  }
0x20: {  	[sflag:s8] =	ssyncset.s32 @!p0 $0xFFFFF086;
	s6 =	sadd.s32 @!p0 s3, s7;
	s7 =	simm.s32 @!p0 $0x108  }
0x21: {  	s3 =	sadd.s32 s3, s9;
	s6 =	sadd.s32 @!p0 $0x88, s6;
	s7 =	simm.s32 @p2 $0x1082  }
0x22: {  	[simem:s7], [sflag:s8] =	dma.local @!p0 [hbm:s6], $0xF7A  }
0x23: {  	s9 =	sor.u32 $0xD0000000, s2;
	s6 =	simm.s32 $0x108;
	_ =	swait.ge @!p0 [sflag:s8], $0x0  }
0x24: {  	s3 =	sadd.s32 $0x88, s3;
	s6 =	simm.s32 @!p1 $0x1082;
	[sflag:s4] =	ssyncset.s32 $0xFFFFF086  }
0x25: {  	[simem:s6], [sflag:s4] =	dma.local [hbm:s3], $0xF7A  }
0x26: {  	[smem:$0x3F95] =	sst s1;
	(tag) =	ssettag s2;
	_ =	strace s9  }
0x27: {  	s1 =	sld [smem:$0x3FA5]  }
0x28: {  	s2 =	sld [smem:$0x3FA6]  }
0x29: {  	s4 =	sld [smem:$0x3FA8]  }
0x2a: {  	p0 =	seq.s32 s5, $0x0;
	s5 =	sld [smem:$0x3FA9]  }
0x2b: {  	s6 =	sld [smem:$0x3FAA]  }
0x2c: {  	s7 =	sld [smem:$0x3FAB]  }
0x2d: {  	s3 =	simm.s32 $0x108;
	s8 =	sld [smem:$0x3FAC]  }
0x2e: {  	s3 =	simm.s32 @!p0 $0x1082;
	s9 =	sld [smem:$0x3FAD]  }
0x2f: {  	lr =	sadd.s32 s0, s3;
	s0 =	sld [smem:$0x3FA4]  }
0x30: {  	s3 =	sld [smem:$0x3FA7]  }
0x31: {  	[smem:$0x3FB0] =	sst s10  }
0x32: {  	s10 =	sld [smem:$0x3FAE];
	_ =	sdelay $0x3  }
0x33: {  	p0 =	seq.s32 s10, $0x1;
	s10 =	sld [smem:$0x3FB0];
	_ =	sdelay $0x3  }
0x34: {  	[smem:$0x3FB0] =	sst s10  }
0x35: {  	s10 =	sld [smem:$0x3FAF];
	_ =	sdelay $0x3  }
0x36: {  	p1 =	seq.s32 s10, $0x1;
	s10 =	sld [smem:$0x3FB0];
	_ =	sdelay $0x3  }
0x37: {  	[smem:$0x3FB0] =	sst s10  }
0x38: {  	s10 =	sld [smem:$0x3FB1]  }
0x39: {  	_ = 	snop;
	(pc) =	sbr.ind lr, $3  }
0x3a: {  	_ = 	snop  }
0x3b: {  	_ = 	snop  }
0x3c: {  	p2 =	seq.s32 s10, $0x1;
	s10 =	sld [smem:$0x3FB0]  }
0x3d: {  	_ =	shalt  }
0x3e: {  	_ =	shalt  }
0x3f: {  	_ =	shalt  }
0x40: {  	_ =	shalt  }
0x41: {  	_ =	shalt  }
0x42: {  	_ =	shalt  }
0x43: {  	_ =	shalt  }
0x44: {  	_ =	shalt  }
0x45: {  	_ =	shalt  }
0x46: {  	_ =	shalt  }
0x47: {  	_ =	shalt  }
0x48: {  	_ =	shalt  }
0x49: {  	_ =	shalt  }
0x4a: {  	_ =	shalt  }
0x4b: {  	_ =	shalt  }
0x4c: {  	_ =	shalt  }
0x4d: {  	_ =	shalt  }
0x4e: {  	_ =	shalt  }
0x4f: {  	_ =	shalt  }
0x50: {  	_ =	shalt  }
0x51: {  	_ =	shalt  }
0x52: {  	_ =	shalt  }
0x53: {  	_ =	shalt  }
0x54: {  	_ =	shalt  }
0x55: {  	_ =	shalt  }
0x56: {  	_ =	shalt  }
0x57: {  	_ =	shalt  }
0x58: {  	_ =	shalt  }
0x59: {  	_ =	shalt  }
0x5a: {  	_ =	shalt  }
0x5b: {  	_ =	shalt  }
0x5c: {  	_ =	shalt  }
0x5d: {  	_ =	shalt  }
0x5e: {  	_ =	shalt  }
0x5f: {  	_ =	shalt  }
0x60: {  	_ =	shalt  }
0x61: {  	_ =	shalt  }
0x62: {  	_ =	shalt  }
0x63: {  	_ =	shalt  }
0x64: {  	_ =	shalt  }
0x65: {  	_ =	shalt  }
0x66: {  	_ =	shalt  }
0x67: {  	_ =	shalt  }
0x68: {  	_ =	shalt  }
0x69: {  	_ =	shalt  }
0x6a: {  	_ =	shalt  }
0x6b: {  	_ =	shalt  }
0x6c: {  	_ =	shalt  }
0x6d: {  	_ =	shalt  }
0x6e: {  	_ =	shalt  }
0x6f: {  	_ =	shalt  }
0x70: {  	_ =	shalt  }
0x71: {  	_ =	shalt  }
0x72: {  	_ =	shalt  }
0x73: {  	_ =	shalt  }
0x74: {  	_ =	shalt  }
0x75: {  	_ =	shalt  }
0x76: {  	_ =	shalt  }
0x77: {  	_ =	shalt  }
0x78: {  	_ =	shalt  }
0x79: {  	_ =	shalt  }
0x7a: {  	_ =	shalt  }
0x7b: {  	_ =	shalt  }
0x7c: {  	_ =	shalt  }
0x7d: {  	_ =	shalt  }
0x7e: {  	_ =	shalt  }
0x7f: {  	_ =	shalt  }
0x80: {  	_ =	shalt  }
0x81: {  	_ =	shalt  }
0x82: {  	_ =	shalt  }
0x83: {  	_ =	shalt  }
0x84: {  	_ =	shalt  }
0x85: {  	_ =	shalt  }
0x86: {  	_ =	shalt  }
0x87: {  	_ =	shalt  }
.Lfunc_end0:
.L_simem_size_0:
called_computation_lowered:
.L_overlay_start_0:
0x88: {  	s2 =	sld [smem:$0x3FD9]  }
0x89: {  	s3 =	sld [smem:$0x3FFE];
	_ =	sdelay $0x1  }
0x8a: {  	s1 =	srdreg.scid  }
0x8b: {  	s0 =	sand.u32 $0x1, s1  }
0x8c: {  	s17 =	sshll.u32 s0, $0xA;
	s2 =	sadd.s32 s3, s2  }
0x8d: {  	s2 =	sadd.s32 s2, s17  }
0x8e: {  	[smem:$0x3FBC] =	sst s2  }
0x8f: {  	_ = 	snop  }
0x90: {  	s2 =	sld [smem:$0x3FC9]  }
0x91: {  	s18 =	sld [smem:$0x3FC8]  }
0x92: {  	s4 =	sld [smem:$0x3FD0];
	(tm) =	ssettm $0x1  }
0x93: {  	s5 =	sld [smem:$0x3FFB];
	_ =	sdelay $0x3  }
0x94: {  	_ =	strace s5  }
0x95: {  	s5 =	sld [smem:$0x3FFC];
	_ =	sdelay $0x3  }
0x96: {  	_ =	strace s5  }
0x97: {  	s5 =	sld [smem:$0x3FFD];
	_ =	sdelay $0x3  }
0x98: {  	_ =	strace s5  }
0x99: {  	_ =	strace $0x8FFFFFFF  }
0x9a: {  	s19 =	sld [smem:$0x3FDB];
	_ =	sdelay $0x1  }
0x9b: {  	s6 =	simm.s32 $_scs_section_size  }
0x9c: {  	s7 =	simm.s32 $_size__tile_overlayer_lowered;
	s8 =	simm.s32 $_tile_overlayer_lowered  }
0x9d: {  	s22 =	simm.s32 $0x1BFF;
	s21 =	sshll.u32 s8, $0x1;
	s5 =	sadd.s32 s6, s19  }
0x9e: {  	s9 =	simm.s32 $0x0;
	s20 =	sshll.u32 s7, $0x1;
	s7 =	sadd.s32 s21, s5  }
0x9f: {  	[timem:s9], [sflag:s22] =	dma.local [hbm:s7], s20  }
0xa0: {  	_ =	swait.ge [sflag:s22], s20  }
0xa1: {  	s6 =	ssub.s32 $0x0, s20;
	[sflag:s22] =	ssyncset.done $0x0  }
0xa2: {  	[sflag:s22] =	ssyncadd.s32 s6;
	_ =	sdelay $0x1  }
0xa3: {  	s23 =	simm.s32 $0x1B8B  }
0xa4: {  	_ =	swait.ge [sflag:s23], $0x1  }
0xa5: {  	[sflag:s23] =	ssyncset.done $0x0  }
0xa6: {  	s25 =	simm.s32 $0x1B8E;
	s24 =	sld [smem:$0x3FFE];
	[sflag:s23] =	ssyncadd.s32 $0xFFFFFFFF  }
0xa7: {  	s26 =	simm.s32 $execute0_lowered;
	[smem:$0x3FD2] =	sst s25  }
0xa8: {  	s7 =	sshll.u32 s26, $0x1;
	_ =	strace $0x80000046;
	[dreg:$0x1] =	wrdreg $0xFFFFFFFF  }
0xa9: {  	s28 =	simm.s32 $_size_execute0_lowered;
	s5 =	sadd.s32 s5, s7;
	[dreg:$0x0] =	wrdreg $0x0  }
0xaa: {  	s7 =	sshll.u32 s28, $0x1;
	[dreg:$0x2] =	wrdreg s5  }
0xab: {  	[dreg:$0x3] =	wrdreg s7  }
0xac: {  	[dreg:$0x4] =	wrdreg $0xC0  }
0xad: {  	_ =	task [dreg:s9], $0x5FFFF  }
0xae: {  	[dreg:$0x1] =	wrdreg $0xFFFFFFFF  }
0xaf: {  	[dreg:$0x0] =	wrdreg $0x60  }
0xb0: {  	[dreg:$0x2] =	wrdreg s2  }
0xb1: {  	[dreg:$0x3] =	wrdreg s18  }
0xb2: {  	[dreg:$0x4] =	wrdreg s24  }
0xb3: {  	[dreg:$0x5] =	wrdreg s4  }
0xb4: {  	[dreg:$0x6] =	wrdreg $0x9  }
0xb5: {  	_ =	task.clear_ibuf [dreg:s9], $0x7FFFF;
	_ =	strace $0x90000046  }
0xb6: {  	s29 =	simm.s32 $0x9;
	_ =	strace $0x80000048  }
0xb7: {  	_ =	swait.ge [sflag:s29], $0x1  }
0xb8: {  	[sflag:s29] =	ssyncadd.s32 $0xFFFFFFFF  }
0xb9: {  	_ =	strace $0x90000048  }
0xba: {  	_ =	sfence  }
0xbb: {  	s30 =	sld [smem:$0x0];
	_ =	sdelay $0x2  }
0xbc: {  	s31 =	sshll.u32 s1, $0xD;
	s1 =	sshrl.u32 s1, $0x2  }
0xbd: {  	s3 =	sand.u32 $0x4000, s31;
	s1 =	sadd.s32 s1, s30  }
0xbe: {  	s0 =	sor.u32 s3, s0;
	s1 =	sshll.u32 s1, $0x11  }
0xbf: {  	s0 =	sor.u32 s1, s0  }
0xc0: {  	s0 =	sadd.s32 $0x8F2B, s0  }
0xc1: {  	[sflag:s0] =	ssyncadd.remote.s32 $0x1  }
0xc2: {  	_ =	sfence.sel $0xFFFF  }
0xc3: {  	[dreg:$0x0] =	wrdreg $0xFFFFFFFF;
	(pc) =	sbr.abs _section_cstart, $3  }
0xc4: {  	[dreg:$0x1] =	wrdreg $0xFFFFFFFF  }
0xc5: {  	_ =	task.clear_ibuf [dreg:s9], $0x2FFFF;
	_ =	strace $0x9FFFFFFF  }
0xc6: {  	(tm) =	ssettm $0x7FFFFFFF  }
0xc7: {  	_ =	shalt  }
tec
execute0_lowered:
.L_overlay_start_1:
0x0: {  	(tag) =	ssettag $0x1  }
0x1: {  	v0 =	vimm.s32 $0x183;
	vm14 =	vcmask $0x300  }
0x2: {  	v1 =	vimm.s32 $0x187;
	vm13 =	vcmask $0x704;
	vm12 =	vcmask $0xB08  }
0x3: {  	vm11 =	vcmask $0xF0C;
	vm10 =	vcmask $0x1310;
	vm9 =	vcmask $0x1714  }
0x4: {  	vm8 =	vcmask $0x1B18;
	vm7 =	vcmask $0x1F1C;
	vm5 =	vcmask $0x2320  }
0x5: {  	vm6 =	vcmask $0x2724;
	vm4 =	vcmask $0x2B28;
	vm3 =	vcmask $0x2F2C  }
0x6: {  	vm2 =	vcmask $0x3330;
	vm1 =	vcmask $0x3734;
	vm0 =	vcmask $0x3B38  }
0x7: {  	v2 =	vimm.s32 $0x18B;
	v3 =	vimm.s32 $0x18F;
	v4 =	vimm.s32 $0x193  }
0x8: {  	v5 =	vimm.s32 $0x197;
	v6 =	vimm.s32 $0x19B;
	v7 =	vimm.s32 $0x19F  }
0x9: {  	v8 =	vimm.s32 $0x1A3;
	v9 =	vimm.s32 $0x1A7;
	v10 =	vimm.s32 $0x1AB  }
0xa: {  	v11 =	vimm.s32 $0x1AF;
	v12 =	vimm.s32 $0x1B3;
	v13 =	vimm.s32 $0x1B7  }
0xb: {  	v14 =	vimm.s32 $0x1BB;
	v15 =	vimm.s32 $0x1BF;
	v16 =	vimm.s32 $0x1C3  }
0xc: {  	v17 =	vimm.s32 $0x1C7;
	v18 =	vimm.s32 $0x1CB;
	v19 =	vimm.s32 $0x1CF  }
0xd: {  	v20 =	vimm.s32 $0x1D3;
	v21 =	vimm.s32 $0x1D7;
	v22 =	vimm.s32 $0x1DB  }
0xe: {  	v23 =	vimm.s32 $0x1DF;
	v24 =	vimm.s32 $0x1E3;
	v25 =	vimm.s32 $0x1E7  }
0xf: {  	v26 =	vimm.s32 $0x1EB;
	v27 =	vimm.s32 $0x1EF;
	v28 =	vimm.s32 $0x1F3  }
0x10: {  	v29 =	vimm.s32 $0x1F7;
	v30 =	vimm.s32 $0x1FB;
	v31 =	vimm.s32 $0x1FF  }
0x11: {  	v0 =	vsel vm14, $0x0, v0;
	v1 =	vsel vm14, $0x4, v1;
	v2 =	vsel vm14, $0x8, v2  }
0x12: {  	v3 =	vsel vm14, $0xC, v3;
	v4 =	vsel vm14, $0x10, v4;
	v5 =	vsel vm14, $0x14, v5  }
0x13: {  	v6 =	vsel vm14, $0x18, v6;
	v7 =	vsel vm14, $0x1C, v7;
	v8 =	vsel vm14, $0x20, v8  }
0x14: {  	v9 =	vsel vm14, $0x24, v9;
	v10 =	vsel vm14, $0x28, v10;
	v11 =	vsel vm14, $0x2C, v11  }
0x15: {  	v12 =	vsel vm14, $0x30, v12;
	v13 =	vsel vm14, $0x34, v13;
	v14 =	vsel vm14, $0x38, v14  }
0x16: {  	v15 =	vsel vm14, $0x3C, v15;
	v16 =	vsel vm14, $0x40, v16;
	v17 =	vsel vm14, $0x44, v17  }
0x17: {  	v18 =	vsel vm14, $0x48, v18;
	v19 =	vsel vm14, $0x4C, v19;
	v20 =	vsel vm14, $0x50, v20  }
0x18: {  	v21 =	vsel vm14, $0x54, v21;
	v22 =	vsel vm14, $0x58, v22;
	v23 =	vsel vm14, $0x5C, v23  }
0x19: {  	v24 =	vsel vm14, $0x60, v24;
	v25 =	vsel vm14, $0x64, v25;
	v26 =	vsel vm14, $0x68, v26  }
0x1a: {  	v27 =	vsel vm14, $0x6C, v27;
	v28 =	vsel vm14, $0x70, v28;
	v29 =	vsel vm14, $0x74, v29  }
0x1b: {  	v30 =	vsel vm14, $0x78, v30;
	v31 =	vsel vm14, $0x7C, v31;
	v0 =	vsel vm13, $0x80, v0  }
0x1c: {  	v1 =	vsel vm13, $0x84, v1;
	v2 =	vsel vm13, $0x88, v2;
	v3 =	vsel vm13, $0x8C, v3  }
0x1d: {  	v4 =	vsel vm13, $0x90, v4;
	v5 =	vsel vm13, $0x94, v5;
	v6 =	vsel vm13, $0x98, v6  }
0x1e: {  	v7 =	vsel vm13, $0x9C, v7;
	v8 =	vsel vm13, $0xA0, v8;
	v9 =	vsel vm13, $0xA4, v9  }
0x1f: {  	v10 =	vsel vm13, $0xA8, v10;
	v11 =	vsel vm13, $0xAC, v11;
	v12 =	vsel vm13, $0xB0, v12  }
0x20: {  	v13 =	vsel vm13, $0xB4, v13;
	v14 =	vsel vm13, $0xB8, v14;
	v15 =	vsel vm13, $0xBC, v15  }
0x21: {  	v16 =	vsel vm13, $0xC0, v16;
	v17 =	vsel vm13, $0xC4, v17;
	v18 =	vsel vm13, $0xC8, v18  }
0x22: {  	v19 =	vsel vm13, $0xCC, v19;
	v20 =	vsel vm13, $0xD0, v20;
	v21 =	vsel vm13, $0xD4, v21  }
0x23: {  	v22 =	vsel vm13, $0xD8, v22;
	v23 =	vsel vm13, $0xDC, v23;
	v24 =	vsel vm13, $0xE0, v24  }
0x24: {  	v25 =	vsel vm13, $0xE4, v25;
	v26 =	vsel vm13, $0xE8, v26;
	v27 =	vsel vm13, $0xEC, v27  }
0x25: {  	v28 =	vsel vm13, $0xF0, v28;
	v29 =	vsel vm13, $0xF4, v29;
	v30 =	vsel vm13, $0xF8, v30  }
0x26: {  	v31 =	vsel vm13, $0xFC, v31;
	v0 =	vsel vm12, $0x100, v0;
	v1 =	vsel vm12, $0x104, v1  }
0x27: {  	v2 =	vsel vm12, $0x108, v2;
	v3 =	vsel vm12, $0x10C, v3;
	v4 =	vsel vm12, $0x110, v4  }
0x28: {  	v5 =	vsel vm12, $0x114, v5;
	v6 =	vsel vm12, $0x118, v6;
	v7 =	vsel vm12, $0x11C, v7  }
0x29: {  	v8 =	vsel vm12, $0x120, v8;
	v9 =	vsel vm12, $0x124, v9;
	v10 =	vsel vm12, $0x128, v10  }
0x2a: {  	v11 =	vsel vm12, $0x12C, v11;
	v12 =	vsel vm12, $0x130, v12;
	v13 =	vsel vm12, $0x134, v13  }
0x2b: {  	v14 =	vsel vm12, $0x138, v14;
	v15 =	vsel vm12, $0x13C, v15;
	v16 =	vsel vm12, $0x140, v16  }
0x2c: {  	v17 =	vsel vm12, $0x144, v17;
	v18 =	vsel vm12, $0x148, v18;
	v19 =	vsel vm12, $0x14C, v19  }
0x2d: {  	v20 =	vsel vm12, $0x150, v20;
	v21 =	vsel vm12, $0x154, v21;
	v22 =	vsel vm12, $0x158, v22  }
0x2e: {  	v23 =	vsel vm12, $0x15C, v23;
	v24 =	vsel vm12, $0x160, v24;
	v25 =	vsel vm12, $0x164, v25  }
0x2f: {  	v26 =	vsel vm12, $0x168, v26;
	v27 =	vsel vm12, $0x16C, v27;
	v28 =	vsel vm12, $0x170, v28  }
0x30: {  	v29 =	vsel vm12, $0x174, v29;
	v30 =	vsel vm12, $0x178, v30;
	v31 =	vsel vm12, $0x17C, v31  }
0x31: {  	v0 =	vsel vm11, $0x180, v0;
	v1 =	vsel vm11, $0x184, v1;
	v2 =	vsel vm11, $0x188, v2  }
0x32: {  	v3 =	vsel vm11, $0x18C, v3;
	v4 =	vsel vm11, $0x190, v4;
	v5 =	vsel vm11, $0x194, v5  }
0x33: {  	v6 =	vsel vm11, $0x198, v6;
	v7 =	vsel vm11, $0x19C, v7;
	v8 =	vsel vm11, $0x1A0, v8  }
0x34: {  	v9 =	vsel vm11, $0x1A4, v9;
	v10 =	vsel vm11, $0x1A8, v10;
	v11 =	vsel vm11, $0x1AC, v11  }
0x35: {  	v12 =	vsel vm11, $0x1B0, v12;
	v13 =	vsel vm11, $0x1B4, v13;
	v14 =	vsel vm11, $0x1B8, v14  }
0x36: {  	v15 =	vsel vm11, $0x1BC, v15;
	v16 =	vsel vm11, $0x1C0, v16;
	v17 =	vsel vm11, $0x1C4, v17  }
0x37: {  	v18 =	vsel vm11, $0x1C8, v18;
	v19 =	vsel vm11, $0x1CC, v19;
	v20 =	vsel vm11, $0x1D0, v20  }
0x38: {  	v21 =	vsel vm11, $0x1D4, v21;
	v22 =	vsel vm11, $0x1D8, v22;
	v23 =	vsel vm11, $0x1DC, v23  }
0x39: {  	v24 =	vsel vm11, $0x1E0, v24;
	v25 =	vsel vm11, $0x1E4, v25;
	v26 =	vsel vm11, $0x1E8, v26  }
0x3a: {  	v27 =	vsel vm11, $0x1EC, v27;
	v28 =	vsel vm11, $0x1F0, v28;
	v29 =	vsel vm11, $0x1F4, v29  }
0x3b: {  	v30 =	vsel vm11, $0x1F8, v30;
	v31 =	vsel vm11, $0x1FC, v31;
	v0 =	vsel vm10, $0x1, v0  }
0x3c: {  	v1 =	vsel vm10, $0x5, v1;
	v2 =	vsel vm10, $0x9, v2;
	v3 =	vsel vm10, $0xD, v3  }
0x3d: {  	v4 =	vsel vm10, $0x11, v4;
	v5 =	vsel vm10, $0x15, v5;
	v6 =	vsel vm10, $0x19, v6  }
0x3e: {  	v7 =	vsel vm10, $0x1D, v7;
	v8 =	vsel vm10, $0x21, v8;
	v9 =	vsel vm10, $0x25, v9  }
0x3f: {  	v10 =	vsel vm10, $0x29, v10;
	v11 =	vsel vm10, $0x2D, v11;
	v12 =	vsel vm10, $0x31, v12  }
0x40: {  	v13 =	vsel vm10, $0x35, v13;
	v14 =	vsel vm10, $0x39, v14;
	v15 =	vsel vm10, $0x3D, v15  }
0x41: {  	v16 =	vsel vm10, $0x41, v16;
	v17 =	vsel vm10, $0x45, v17;
	v18 =	vsel vm10, $0x49, v18  }
0x42: {  	v19 =	vsel vm10, $0x4D, v19;
	v20 =	vsel vm10, $0x51, v20;
	v21 =	vsel vm10, $0x55, v21  }
0x43: {  	v22 =	vsel vm10, $0x59, v22;
	v23 =	vsel vm10, $0x5D, v23;
	v24 =	vsel vm10, $0x61, v24  }
0x44: {  	v25 =	vsel vm10, $0x65, v25;
	v26 =	vsel vm10, $0x69, v26;
	v27 =	vsel vm10, $0x6D, v27  }
0x45: {  	v28 =	vsel vm10, $0x71, v28;
	v29 =	vsel vm10, $0x75, v29;
	v30 =	vsel vm10, $0x79, v30  }
0x46: {  	v31 =	vsel vm10, $0x7D, v31;
	v0 =	vsel vm9, $0x81, v0;
	v1 =	vsel vm9, $0x85, v1  }
0x47: {  	v2 =	vsel vm9, $0x89, v2;
	v3 =	vsel vm9, $0x8D, v3;
	v4 =	vsel vm9, $0x91, v4  }
0x48: {  	v5 =	vsel vm9, $0x95, v5;
	v6 =	vsel vm9, $0x99, v6;
	v7 =	vsel vm9, $0x9D, v7  }
0x49: {  	v8 =	vsel vm9, $0xA1, v8;
	v9 =	vsel vm9, $0xA5, v9;
	v10 =	vsel vm9, $0xA9, v10  }
0x4a: {  	v11 =	vsel vm9, $0xAD, v11;
	v12 =	vsel vm9, $0xB1, v12;
	v13 =	vsel vm9, $0xB5, v13  }
0x4b: {  	v14 =	vsel vm9, $0xB9, v14;
	v15 =	vsel vm9, $0xBD, v15;
	v16 =	vsel vm9, $0xC1, v16  }
0x4c: {  	v17 =	vsel vm9, $0xC5, v17;
	v18 =	vsel vm9, $0xC9, v18;
	v19 =	vsel vm9, $0xCD, v19  }
0x4d: {  	v20 =	vsel vm9, $0xD1, v20;
	v21 =	vsel vm9, $0xD5, v21;
	v22 =	vsel vm9, $0xD9, v22  }
0x4e: {  	v23 =	vsel vm9, $0xDD, v23;
	v24 =	vsel vm9, $0xE1, v24;
	v25 =	vsel vm9, $0xE5, v25  }
0x4f: {  	v26 =	vsel vm9, $0xE9, v26;
	v27 =	vsel vm9, $0xED, v27;
	v28 =	vsel vm9, $0xF1, v28  }
0x50: {  	v29 =	vsel vm9, $0xF5, v29;
	v30 =	vsel vm9, $0xF9, v30;
	v31 =	vsel vm9, $0xFD, v31  }
0x51: {  	v0 =	vsel vm8, $0x101, v0;
	v1 =	vsel vm8, $0x105, v1;
	v2 =	vsel vm8, $0x109, v2  }
0x52: {  	v3 =	vsel vm8, $0x10D, v3;
	v4 =	vsel vm8, $0x111, v4;
	v5 =	vsel vm8, $0x115, v5  }
0x53: {  	v6 =	vsel vm8, $0x119, v6;
	v7 =	vsel vm8, $0x11D, v7;
	v8 =	vsel vm8, $0x121, v8  }
0x54: {  	v9 =	vsel vm8, $0x125, v9;
	v10 =	vsel vm8, $0x129, v10;
	v11 =	vsel vm8, $0x12D, v11  }
0x55: {  	v12 =	vsel vm8, $0x131, v12;
	v13 =	vsel vm8, $0x135, v13;
	v14 =	vsel vm8, $0x139, v14  }
0x56: {  	v15 =	vsel vm8, $0x13D, v15;
	v16 =	vsel vm8, $0x141, v16;
	v17 =	vsel vm8, $0x145, v17  }
0x57: {  	v18 =	vsel vm8, $0x149, v18;
	v19 =	vsel vm8, $0x14D, v19;
	v20 =	vsel vm8, $0x151, v20  }
0x58: {  	v21 =	vsel vm8, $0x155, v21;
	v22 =	vsel vm8, $0x159, v22;
	v23 =	vsel vm8, $0x15D, v23  }
0x59: {  	v24 =	vsel vm8, $0x161, v24;
	v25 =	vsel vm8, $0x165, v25;
	v26 =	vsel vm8, $0x169, v26  }
0x5a: {  	v27 =	vsel vm8, $0x16D, v27;
	v28 =	vsel vm8, $0x171, v28;
	v29 =	vsel vm8, $0x175, v29  }
0x5b: {  	v30 =	vsel vm8, $0x179, v30;
	v31 =	vsel vm8, $0x17D, v31;
	v0 =	vsel vm7, $0x181, v0  }
0x5c: {  	v1 =	vsel vm7, $0x185, v1;
	v2 =	vsel vm7, $0x189, v2;
	v3 =	vsel vm7, $0x18D, v3  }
0x5d: {  	v4 =	vsel vm7, $0x191, v4;
	v5 =	vsel vm7, $0x195, v5;
	v6 =	vsel vm7, $0x199, v6  }
0x5e: {  	v7 =	vsel vm7, $0x19D, v7;
	v8 =	vsel vm7, $0x1A1, v8;
	v9 =	vsel vm7, $0x1A5, v9  }
0x5f: {  	v10 =	vsel vm7, $0x1A9, v10;
	v11 =	vsel vm7, $0x1AD, v11;
	v12 =	vsel vm7, $0x1B1, v12  }
0x60: {  	v13 =	vsel vm7, $0x1B5, v13;
	v14 =	vsel vm7, $0x1B9, v14;
	v15 =	vsel vm7, $0x1BD, v15  }
0x61: {  	v16 =	vsel vm7, $0x1C1, v16;
	v17 =	vsel vm7, $0x1C5, v17;
	v18 =	vsel vm7, $0x1C9, v18  }
0x62: {  	v19 =	vsel vm7, $0x1CD, v19;
	v20 =	vsel vm7, $0x1D1, v20;
	v21 =	vsel vm7, $0x1D5, v21  }
0x63: {  	v22 =	vsel vm7, $0x1D9, v22;
	v23 =	vsel vm7, $0x1DD, v23;
	v24 =	vsel vm7, $0x1E1, v24  }
0x64: {  	v25 =	vsel vm7, $0x1E5, v25;
	v26 =	vsel vm7, $0x1E9, v26;
	v27 =	vsel vm7, $0x1ED, v27  }
0x65: {  	v28 =	vsel vm7, $0x1F1, v28;
	v29 =	vsel vm7, $0x1F5, v29;
	v30 =	vsel vm7, $0x1F9, v30  }
0x66: {  	v31 =	vsel vm7, $0x1FD, v31;
	v0 =	vsel vm5, $0x2, v0;
	v1 =	vsel vm5, $0x6, v1  }
0x67: {  	v2 =	vsel vm5, $0xA, v2;
	v3 =	vsel vm5, $0xE, v3;
	v4 =	vsel vm5, $0x12, v4  }
0x68: {  	v5 =	vsel vm5, $0x16, v5;
	v6 =	vsel vm5, $0x1A, v6;
	v7 =	vsel vm5, $0x1E, v7  }
0x69: {  	v8 =	vsel vm5, $0x22, v8;
	v9 =	vsel vm5, $0x26, v9;
	v10 =	vsel vm5, $0x2A, v10  }
0x6a: {  	v11 =	vsel vm5, $0x2E, v11;
	v12 =	vsel vm5, $0x32, v12;
	v13 =	vsel vm5, $0x36, v13  }
0x6b: {  	v14 =	vsel vm5, $0x3A, v14;
	v15 =	vsel vm5, $0x3E, v15;
	v16 =	vsel vm5, $0x42, v16  }
0x6c: {  	v17 =	vsel vm5, $0x46, v17;
	v18 =	vsel vm5, $0x4A, v18;
	v19 =	vsel vm5, $0x4E, v19  }
0x6d: {  	v20 =	vsel vm5, $0x52, v20;
	v21 =	vsel vm5, $0x56, v21;
	v22 =	vsel vm5, $0x5A, v22  }
0x6e: {  	v23 =	vsel vm5, $0x5E, v23;
	v24 =	vsel vm5, $0x62, v24;
	v25 =	vsel vm5, $0x66, v25  }
0x6f: {  	v26 =	vsel vm5, $0x6A, v26;
	v27 =	vsel vm5, $0x6E, v27;
	v28 =	vsel vm5, $0x72, v28  }
0x70: {  	v29 =	vsel vm5, $0x76, v29;
	v30 =	vsel vm5, $0x7A, v30;
	v31 =	vsel vm5, $0x7E, v31  }
0x71: {  	v0 =	vsel vm6, $0x82, v0;
	v1 =	vsel vm6, $0x86, v1;
	v2 =	vsel vm6, $0x8A, v2  }
0x72: {  	v3 =	vsel vm6, $0x8E, v3;
	v4 =	vsel vm6, $0x92, v4;
	v5 =	vsel vm6, $0x96, v5  }
0x73: {  	v6 =	vsel vm6, $0x9A, v6;
	v7 =	vsel vm6, $0x9E, v7;
	v8 =	vsel vm6, $0xA2, v8  }
0x74: {  	v9 =	vsel vm6, $0xA6, v9;
	v10 =	vsel vm6, $0xAA, v10;
	v11 =	vsel vm6, $0xAE, v11  }
0x75: {  	v12 =	vsel vm6, $0xB2, v12;
	v13 =	vsel vm6, $0xB6, v13;
	v14 =	vsel vm6, $0xBA, v14  }
0x76: {  	v15 =	vsel vm6, $0xBE, v15;
	v16 =	vsel vm6, $0xC2, v16;
	v17 =	vsel vm6, $0xC6, v17  }
0x77: {  	v18 =	vsel vm6, $0xCA, v18;
	v19 =	vsel vm6, $0xCE, v19;
	v20 =	vsel vm6, $0xD2, v20  }
0x78: {  	v21 =	vsel vm6, $0xD6, v21;
	v22 =	vsel vm6, $0xDA, v22;
	v23 =	vsel vm6, $0xDE, v23  }
0x79: {  	v24 =	vsel vm6, $0xE2, v24;
	v25 =	vsel vm6, $0xE6, v25;
	v26 =	vsel vm6, $0xEA, v26  }
0x7a: {  	v27 =	vsel vm6, $0xEE, v27;
	v28 =	vsel vm6, $0xF2, v28;
	v29 =	vsel vm6, $0xF6, v29  }
0x7b: {  	v30 =	vsel vm6, $0xFA, v30;
	v31 =	vsel vm6, $0xFE, v31;
	v0 =	vsel vm4, $0x102, v0  }
0x7c: {  	v1 =	vsel vm4, $0x106, v1;
	v2 =	vsel vm4, $0x10A, v2;
	v3 =	vsel vm4, $0x10E, v3  }
0x7d: {  	v4 =	vsel vm4, $0x112, v4;
	v5 =	vsel vm4, $0x116, v5;
	v6 =	vsel vm4, $0x11A, v6  }
0x7e: {  	v7 =	vsel vm4, $0x11E, v7;
	v8 =	vsel vm4, $0x122, v8;
	v9 =	vsel vm4, $0x126, v9  }
0x7f: {  	v10 =	vsel vm4, $0x12A, v10;
	v11 =	vsel vm4, $0x12E, v11;
	v12 =	vsel vm4, $0x132, v12  }
0x80: {  	v13 =	vsel vm4, $0x136, v13;
	v14 =	vsel vm4, $0x13A, v14;
	v15 =	vsel vm4, $0x13E, v15  }
0x81: {  	v16 =	vsel vm4, $0x142, v16;
	v17 =	vsel vm4, $0x146, v17;
	v18 =	vsel vm4, $0x14A, v18  }
0x82: {  	v19 =	vsel vm4, $0x14E, v19;
	v20 =	vsel vm4, $0x152, v20;
	v21 =	vsel vm4, $0x156, v21  }
0x83: {  	v22 =	vsel vm4, $0x15A, v22;
	v23 =	vsel vm4, $0x15E, v23;
	v24 =	vsel vm4, $0x162, v24  }
0x84: {  	v25 =	vsel vm4, $0x166, v25;
	v26 =	vsel vm4, $0x16A, v26;
	v27 =	vsel vm4, $0x16E, v27  }
0x85: {  	v28 =	vsel vm4, $0x172, v28;
	v29 =	vsel vm4, $0x176, v29;
	v30 =	vsel vm4, $0x17A, v30  }
0x86: {  	v31 =	vsel vm4, $0x17E, v31;
	v0 =	vsel vm3, $0x182, v0;
	v1 =	vsel vm3, $0x186, v1  }
0x87: {  	v2 =	vsel vm3, $0x18A, v2;
	v3 =	vsel vm3, $0x18E, v3;
	v4 =	vsel vm3, $0x192, v4  }
0x88: {  	v5 =	vsel vm3, $0x196, v5;
	v6 =	vsel vm3, $0x19A, v6;
	v7 =	vsel vm3, $0x19E, v7  }
0x89: {  	v8 =	vsel vm3, $0x1A2, v8;
	v9 =	vsel vm3, $0x1A6, v9;
	v10 =	vsel vm3, $0x1AA, v10  }
0x8a: {  	v11 =	vsel vm3, $0x1AE, v11;
	v12 =	vsel vm3, $0x1B2, v12;
	v13 =	vsel vm3, $0x1B6, v13  }
0x8b: {  	v14 =	vsel vm3, $0x1BA, v14;
	v15 =	vsel vm3, $0x1BE, v15;
	v16 =	vsel vm3, $0x1C2, v16  }
0x8c: {  	v17 =	vsel vm3, $0x1C6, v17;
	v18 =	vsel vm3, $0x1CA, v18;
	v19 =	vsel vm3, $0x1CE, v19  }
0x8d: {  	v20 =	vsel vm3, $0x1D2, v20;
	v21 =	vsel vm3, $0x1D6, v21;
	v22 =	vsel vm3, $0x1DA, v22  }
0x8e: {  	v23 =	vsel vm3, $0x1DE, v23;
	v24 =	vsel vm3, $0x1E2, v24;
	v25 =	vsel vm3, $0x1E6, v25  }
0x8f: {  	v26 =	vsel vm3, $0x1EA, v26;
	v27 =	vsel vm3, $0x1EE, v27;
	v28 =	vsel vm3, $0x1F2, v28  }
0x90: {  	v29 =	vsel vm3, $0x1F6, v29;
	v30 =	vsel vm3, $0x1FA, v30;
	v31 =	vsel vm3, $0x1FE, v31  }
0x91: {  	v0 =	vsel vm2, $0x3, v0;
	v1 =	vsel vm2, $0x7, v1;
	v2 =	vsel vm2, $0xB, v2  }
0x92: {  	v3 =	vsel vm2, $0xF, v3;
	v4 =	vsel vm2, $0x13, v4;
	v5 =	vsel vm2, $0x17, v5  }
0x93: {  	v6 =	vsel vm2, $0x1B, v6;
	v7 =	vsel vm2, $0x1F, v7;
	v8 =	vsel vm2, $0x23, v8  }
0x94: {  	v9 =	vsel vm2, $0x27, v9;
	v10 =	vsel vm2, $0x2B, v10;
	v11 =	vsel vm2, $0x2F, v11  }
0x95: {  	v12 =	vsel vm2, $0x33, v12;
	v13 =	vsel vm2, $0x37, v13;
	v14 =	vsel vm2, $0x3B, v14  }
0x96: {  	v15 =	vsel vm2, $0x3F, v15;
	v16 =	vsel vm2, $0x43, v16;
	v17 =	vsel vm2, $0x47, v17  }
0x97: {  	v18 =	vsel vm2, $0x4B, v18;
	v19 =	vsel vm2, $0x4F, v19;
	v20 =	vsel vm2, $0x53, v20  }
0x98: {  	v21 =	vsel vm2, $0x57, v21;
	v22 =	vsel vm2, $0x5B, v22;
	v23 =	vsel vm2, $0x5F, v23  }
0x99: {  	s5 =	rddreg [dreg:$0x0];
	v24 =	vsel vm2, $0x63, v24;
	v25 =	vsel vm2, $0x67, v25;
	v26 =	vsel vm2, $0x6B, v26  }
0x9a: {  	s4 =	rddreg [dreg:$0x1];
	v27 =	vsel vm2, $0x6F, v27;
	v28 =	vsel vm2, $0x73, v28;
	v29 =	vsel vm2, $0x77, v29  }
0x9b: {  	s1 =	rddreg [dreg:$0x2];
	s3 =	srdreg.scid;
	v30 =	vsel vm2, $0x7B, v30;
	v31 =	vsel vm2, $0x7F, v31;
	v0 =	vsel vm1, $0x83, v0  }
0x9c: {  	s0 =	stileid.u32;
	s2 =	rddreg [dreg:$0x3];
	s11 =	simm.s32 $0x180;
	v1 =	vsel vm1, $0x87, v1;
	v2 =	vsel vm1, $0x8B, v2;
	v3 =	vsel vm1, $0x8F, v3  }
0x9d: {  	s12 =	simm.s32 $0x380;
	s13 =	simm.s32 $0x2;
	s14 =	simm.s32 $0x400;
	v4 =	vsel vm1, $0x93, v4;
	v5 =	vsel vm1, $0x97, v5;
	v6 =	vsel vm1, $0x9B, v6  }
0x9e: {  	s15 =	simm.s32 $0x800;
	s16 =	simm.s32 $0x600;
	s17 =	simm.s32 $0x4800;
	v7 =	vsel vm1, $0x9F, v7;
	v8 =	vsel vm1, $0xA3, v8;
	v9 =	vsel vm1, $0xA7, v9  }
0x9f: {  	s28 =	simm.s32 $0x3800;
	s29 =	simm.s32 $0x780;
	s30 =	simm.s32 $0x7800;
	v10 =	vsel vm1, $0xAB, v10;
	v11 =	vsel vm1, $0xAF, v11;
	v12 =	vsel vm1, $0xB3, v12  }
0xa0: {  	s6 =	sand.u32 $0x1, s3;
	s7 =	sshll.u32 s0, $0x1;
	s3 =	simm.s32 $0x0;
	v13 =	vsel vm1, $0xB7, v13;
	v14 =	vsel vm1, $0xBB, v14;
	v15 =	vsel vm1, $0xBF, v15  }
0xa1: {  	s31 =	simm.s32 $0x1;
	s7 =	sor.u32 s6, s7;
	[smem:$0x7FF] =	sst s3;
	v16 =	vsel vm1, $0xC3, v16;
	v17 =	vsel vm1, $0xC7, v17;
	v18 =	vsel vm1, $0xCB, v18  }
0xa2: {  	s24 =	ssub.s32 $0x2, s6;
	s8 =	sshll.u32 s7, $0x4;
	_ =	strace $0x80000047;
	v19 =	vsel vm1, $0xCF, v19;
	v20 =	vsel vm1, $0xD3, v20;
	v21 =	vsel vm1, $0xD7, v21  }
0xa3: {  	s7 =	sshll.u32 s7, $0xB;
	s6 =	sshrl.u32 s24, $0x1;
	s9 =	sadd.s32 s5, s8;
	v22 =	vsel vm1, $0xDB, v22;
	v23 =	vsel vm1, $0xDF, v23;
	v24 =	vsel vm1, $0xE3, v24  }
0xa4: {  	s18 =	sadd.s32 s4, s8;
	s10 =	sor.u32 $0x200, s8;
	[dreg:$0x5] =	wrdreg s9;
	v25 =	vsel vm1, $0xE7, v25;
	v26 =	vsel vm1, $0xEB, v26;
	v27 =	vsel vm1, $0xEF, v27  }
0xa5: {  	s21 =	sor.u32 $0x400, s8;
	[dreg:$0x6] =	wrdreg s18;
	s19 =	sadd.s32 s5, s10;
	v28 =	vsel vm1, $0xF3, v28;
	v29 =	vsel vm1, $0xF7, v29;
	v30 =	vsel vm1, $0xFB, v30  }
0xa6: {  	s8 =	sor.u32 $0x600, s8;
	s20 =	sadd.s32 s4, s10;
	[dreg:$0x7] =	wrdreg s19;
	v31 =	vsel vm1, $0xFF, v31;
	v0 =	vsel vm0, $0x103, v0;
	v1 =	vsel vm0, $0x107, v1  }
0xa7: {  	s7 =	sadd.s32 s7, s1;
	s22 =	sadd.s32 s5, s21;
	[dreg:$0x8] =	wrdreg s20;
	v2 =	vsel vm0, $0x10B, v2;
	v3 =	vsel vm0, $0x10F, v3;
	v4 =	vsel vm0, $0x113, v4  }
0xa8: {  	s26 =	ssub.s32 s24, s6;
	s23 =	sadd.s32 s4, s21;
	[dreg:$0x9] =	wrdreg s22;
	v5 =	vsel vm0, $0x117, v5;
	v6 =	vsel vm0, $0x11B, v6;
	v7 =	vsel vm0, $0x11F, v7  }
0xa9: {  	s6 =	simm.s32 $0x200;
	s5 =	sadd.s32 s5, s8;
	[dreg:$0xa] =	wrdreg s23;
	v8 =	vsel vm0, $0x123, v8;
	v9 =	vsel vm0, $0x127, v9;
	v10 =	vsel vm0, $0x12B, v10  }
0xaa: {  	s24 =	simm.s32 $0x700;
	s4 =	sadd.s32 s4, s8;
	[dreg:$0xb] =	wrdreg s5;
	v11 =	vsel vm0, $0x12F, v11;
	v12 =	vsel vm0, $0x133, v12;
	v13 =	vsel vm0, $0x137, v13  }
0xab: {  	s25 =	sadd.s32 $0xBA00, s7;
	s7 =	sadd.s32 $0x1BA00, s7;
	[dreg:$0xc] =	wrdreg s4;
	v14 =	vsel vm0, $0x13B, v14;
	v15 =	vsel vm0, $0x13F, v15;
	v16 =	vsel vm0, $0x143, v16  }
0xac: {  	s10 =	simm.s32 $0x300;
	s18 =	simm.s32 $0x480;
	[dreg:$0xd] =	wrdreg s25;
	v17 =	vsel vm0, $0x147, v17;
	v18 =	vsel vm0, $0x14B, v18;
	v19 =	vsel vm0, $0x14F, v19  }
0xad: {  	s21 =	simm.s32 $0x5800;
	s4 =	sadd.s32 $0x1C00, s1;
	[dreg:$0xe] =	wrdreg s7;
	v20 =	vsel vm0, $0x153, v20;
	v21 =	vsel vm0, $0x157, v21;
	v22 =	vsel vm0, $0x15B, v22  }
0xae: {  	s5 =	smax.u32 s26, $0x1;
	s7 =	simm.s32 $0x80;
	s19 =	simm.s32 $0x1800;
	v23 =	vsel vm0, $0x15F, v23;
	v24 =	vsel vm0, $0x163, v24;
	v25 =	vsel vm0, $0x167, v25  }
0xaf: {  	s20 =	simm.s32 $0x680;
	s22 =	simm.s32 $0x500;
	s23 =	simm.s32 $0x2800;
	v26 =	vsel vm0, $0x16B, v26;
	v27 =	vsel vm0, $0x16F, v27;
	v28 =	vsel vm0, $0x173, v28  }
0xb0: {  	s25 =	simm.s32 $0x6800;
	s26 =	simm.s32 $0x580;
	s1 =	simm.s32 $0x3;
	v29 =	vsel vm0, $0x177, v29;
	v30 =	vsel vm0, $0x17B, v30;
	v31 =	vsel vm0, $0x17F, v31  }
.LBB2_1:
0xb1: {  	s0 =	rddreg [dreg:$0x5]  }
0xb2: {  	[tilespmem:s3], [sflag:$0x2] =	stream.linear.gather [hbm4b:s0+s3], $0x80, $0x38;
	[tilespmem:$0x8800] =	vst v63  }
0xb3: {  	s8 =	rddreg [dreg:$0x6]  }
0xb4: {  	[tilespmem:s6], [sflag:$0x2] =	stream.linear.gather [hbm4b:s8+s3], $0x80, $0x38;
	[tilespmem:$0x8800] =	vst v63  }
0xb5: {  	s9 =	rddreg [dreg:$0x7]  }
0xb6: {  	[tilespmem:s7], [sflag:$0x2] =	stream.linear.gather [hbm4b:s9+s3], $0x80, $0x38;
	[tilespmem:$0x8800] =	vst v63  }
0xb7: {  	s8 =	rddreg [dreg:$0x8];
	s9 =	simm.s32 $0x280  }
0xb8: {  	[tilespmem:s9], [sflag:$0x2] =	stream.linear.gather [hbm4b:s8+s3], $0x80, $0x38;
	[tilespmem:$0x8800] =	vst v63  }
0xb9: {  	s0 =	rddreg [dreg:$0x9];
	s9 =	simm.s32 $0x100  }
0xba: {  	[tilespmem:s9], [sflag:$0x2] =	stream.linear.gather [hbm4b:s0+s3], $0x80, $0x38;
	[tilespmem:$0x8800] =	vst v63  }
0xbb: {  	s8 =	rddreg [dreg:$0xa]  }
0xbc: {  	[tilespmem:s10], [sflag:$0x2] =	stream.linear.gather [hbm4b:s8+s3], $0x80, $0x38;
	[tilespmem:$0x8800] =	vst v63  }
0xbd: {  	s0 =	rddreg [dreg:$0xb]  }
0xbe: {  	[tilespmem:s11], [sflag:$0x2] =	stream.linear.gather [hbm4b:s0+s3], $0x80, $0x38;
	[tilespmem:$0x8800] =	vst v63  }
0xbf: {  	s9 =	rddreg [dreg:$0xc]  }
0xc0: {  	[tilespmem:s12], [sflag:$0x2] =	stream.linear.gather [hbm4b:s9+s3], $0x80, $0x38;
	[tilespmem:$0x8800] =	vst v63  }
0xc1: {  	_ =	swait.ge [sflag:s13], $0x80  }
0xc2: {  	[sflag:s13] =	ssyncset.done $0x0  }
0xc3: {  	[sflag:s13] =	ssyncadd.s32 $0xFFFFFF80  }
0xc4: {  	_ =	swait.ge [sflag:s13], $0x80  }
0xc5: {  	[sflag:s13] =	ssyncset.done $0x0  }
0xc6: {  	[sflag:s13] =	ssyncadd.s32 $0xFFFFFF80  }
0xc7: {  	_ =	swait.ge [sflag:s13], $0x80  }
0xc8: {  	[sflag:s13] =	ssyncset.done $0x0  }
0xc9: {  	[sflag:s13] =	ssyncadd.s32 $0xFFFFFF80  }
0xca: {  	_ =	swait.ge [sflag:s13], $0x80  }
0xcb: {  	[sflag:s13] =	ssyncset.done $0x0  }
0xcc: {  	[sflag:s13] =	ssyncadd.s32 $0xFFFFFF80  }
0xcd: {  	_ =	swait.ge [sflag:s13], $0x80  }
0xce: {  	[sflag:s13] =	ssyncset.done $0x0  }
0xcf: {  	[sflag:s13] =	ssyncadd.s32 $0xFFFFFF80  }
0xd0: {  	_ =	swait.ge [sflag:s13], $0x80  }
0xd1: {  	[sflag:s13] =	ssyncset.done $0x0  }
0xd2: {  	[sflag:s13] =	ssyncadd.s32 $0xFFFFFF80  }
0xd3: {  	_ =	swait.ge [sflag:s13], $0x80  }
0xd4: {  	[sflag:s13] =	ssyncset.done $0x0  }
0xd5: {  	[sflag:s13] =	ssyncadd.s32 $0xFFFFFF80  }
0xd6: {  	_ =	swait.ge [sflag:s13], $0x80  }
0xd7: {  	[sflag:s13] =	ssyncset.done $0x0  }
0xd8: {  	[sflag:s13] =	ssyncadd.s32 $0xFFFFFF80  }
0xd9: {  	v32 =	vld.idx.msk [tilespmem:v0+s3+$0x0], $0xffff;
	_ =	sdelay $0x4  }
0xda: {  	v32 =	vadd.s32 $0xFFFFFFFF, v32  }
0xdb: {  	[tilespmem:$0x400] =	vst v32  }
0xdc: {  	v32 =	vld.idx.msk [tilespmem:v0+s6+$0x0], $0xffff;
	_ =	sdelay $0x4  }
0xdd: {  	v32 =	vadd.s32 $0xFFFFFFFF, v32  }
0xde: {  	[tilespmem:$0x600] =	vst v32  }
0xdf: {  	v32 =	vld.idx.msk [tilespmem:v1+s3+$0x0], $0xffff;
	_ =	sdelay $0x4  }
0xe0: {  	v32 =	vadd.s32 $0xFFFFFFFF, v32  }
0xe1: {  	[tilespmem:$0x410] =	vst v32  }
0xe2: {  	v32 =	vld.idx.msk [tilespmem:v1+s6+$0x0], $0xffff;
	_ =	sdelay $0x4  }
0xe3: {  	v32 =	vadd.s32 $0xFFFFFFFF, v32  }
0xe4: {  	[tilespmem:$0x610] =	vst v32  }
0xe5: {  	v32 =	vld.idx.msk [tilespmem:v2+s3+$0x0], $0xffff;
	_ =	sdelay $0x4  }
0xe6: {  	v32 =	vadd.s32 $0xFFFFFFFF, v32  }
0xe7: {  	[tilespmem:$0x420] =	vst v32  }
0xe8: {  	v32 =	vld.idx.msk [tilespmem:v2+s6+$0x0], $0xffff;
	_ =	sdelay $0x4  }
0xe9: {  	v32 =	vadd.s32 $0xFFFFFFFF, v32  }
0xea: {  	[tilespmem:$0x620] =	vst v32  }
0xeb: {  	v32 =	vld.idx.msk [tilespmem:v3+s3+$0x0], $0xffff;
	_ =	sdelay $0x4  }
0xec: {  	v32 =	vadd.s32 $0xFFFFFFFF, v32  }
0xed: {  	[tilespmem:$0x430] =	vst v32  }
0xee: {  	v32 =	vld.idx.msk [tilespmem:v3+s6+$0x0], $0xffff;
	_ =	sdelay $0x4  }
0xef: {  	v32 =	vadd.s32 $0xFFFFFFFF, v32  }
0xf0: {  	[tilespmem:$0x630] =	vst v32  }
0xf1: {  	v32 =	vld.idx.msk [tilespmem:v4+s3+$0x0], $0xffff;
	_ =	sdelay $0x4  }
0xf2: {  	v32 =	vadd.s32 $0xFFFFFFFF, v32  }
0xf3: {  	[tilespmem:$0x440] =	vst v32  }
0xf4: {  	v32 =	vld.idx.msk [tilespmem:v4+s6+$0x0], $0xffff;
	_ =	sdelay $0x4  }
0xf5: {  	v32 =	vadd.s32 $0xFFFFFFFF, v32  }
0xf6: {  	[tilespmem:$0x640] =	vst v32  }
0xf7: {  	v32 =	vld.idx.msk [tilespmem:v5+s3+$0x0], $0xffff;
	_ =	sdelay $0x4  }
0xf8: {  	v32 =	vadd.s32 $0xFFFFFFFF, v32  }
0xf9: {  	[tilespmem:$0x450] =	vst v32  }
0xfa: {  	v32 =	vld.idx.msk [tilespmem:v5+s6+$0x0], $0xffff;
	_ =	sdelay $0x4  }
0xfb: {  	v32 =	vadd.s32 $0xFFFFFFFF, v32  }
0xfc: {  	[tilespmem:$0x650] =	vst v32  }
0xfd: {  	v32 =	vld.idx.msk [tilespmem:v6+s3+$0x0], $0xffff;
	_ =	sdelay $0x4  }
0xfe: {  	v32 =	vadd.s32 $0xFFFFFFFF, v32  }
0xff: {  	[tilespmem:$0x460] =	vst v32  }
0x100: {  	v32 =	vld.idx.msk [tilespmem:v6+s6+$0x0], $0xffff;
	_ =	sdelay $0x4  }
0x101: {  	v32 =	vadd.s32 $0xFFFFFFFF, v32  }
0x102: {  	[tilespmem:$0x660] =	vst v32  }
0x103: {  	v32 =	vld.idx.msk [tilespmem:v7+s3+$0x0], $0xffff;
	_ =	sdelay $0x4  }
0x104: {  	v32 =	vadd.s32 $0xFFFFFFFF, v32  }
0x105: {  	[tilespmem:$0x470] =	vst v32  }
0x106: {  	v32 =	vld.idx.msk [tilespmem:v7+s6+$0x0], $0xffff;
	_ =	sdelay $0x4  }
0x107: {  	v32 =	vadd.s32 $0xFFFFFFFF, v32  }
0x108: {  	[tilespmem:$0x670] =	vst v32  }
0x109: {  	v32 =	vld.idx.msk [tilespmem:v8+s3+$0x0], $0xffff;
	_ =	sdelay $0x4  }
0x10a: {  	v32 =	vadd.s32 $0xFFFFFFFF, v32  }
0x10b: {  	[tilespmem:$0x480] =	vst v32  }
0x10c: {  	v32 =	vld.idx.msk [tilespmem:v8+s6+$0x0], $0xffff;
	_ =	sdelay $0x4  }
0x10d: {  	v32 =	vadd.s32 $0xFFFFFFFF, v32  }
0x10e: {  	[tilespmem:$0x680] =	vst v32  }
0x10f: {  	v32 =	vld.idx.msk [tilespmem:v9+s3+$0x0], $0xffff;
	_ =	sdelay $0x4  }
0x110: {  	v32 =	vadd.s32 $0xFFFFFFFF, v32  }
0x111: {  	[tilespmem:$0x490] =	vst v32  }
0x112: {  	v32 =	vld.idx.msk [tilespmem:v9+s6+$0x0], $0xffff;
	_ =	sdelay $0x4  }
0x113: {  	v32 =	vadd.s32 $0xFFFFFFFF, v32  }
0x114: {  	[tilespmem:$0x690] =	vst v32  }
0x115: {  	v32 =	vld.idx.msk [tilespmem:v10+s3+$0x0], $0xffff;
	_ =	sdelay $0x4  }
0x116: {  	v32 =	vadd.s32 $0xFFFFFFFF, v32  }
0x117: {  	[tilespmem:$0x4A0] =	vst v32  }
0x118: {  	v32 =	vld.idx.msk [tilespmem:v10+s6+$0x0], $0xffff;
	_ =	sdelay $0x4  }
0x119: {  	v32 =	vadd.s32 $0xFFFFFFFF, v32  }
0x11a: {  	[tilespmem:$0x6A0] =	vst v32  }
0x11b: {  	v32 =	vld.idx.msk [tilespmem:v11+s3+$0x0], $0xffff;
	_ =	sdelay $0x4  }
0x11c: {  	v32 =	vadd.s32 $0xFFFFFFFF, v32  }
0x11d: {  	[tilespmem:$0x4B0] =	vst v32  }
0x11e: {  	v32 =	vld.idx.msk [tilespmem:v11+s6+$0x0], $0xffff;
	_ =	sdelay $0x4  }
0x11f: {  	v32 =	vadd.s32 $0xFFFFFFFF, v32  }
0x120: {  	[tilespmem:$0x6B0] =	vst v32  }
0x121: {  	v32 =	vld.idx.msk [tilespmem:v12+s3+$0x0], $0xffff;
	_ =	sdelay $0x4  }
0x122: {  	v32 =	vadd.s32 $0xFFFFFFFF, v32  }
0x123: {  	[tilespmem:$0x4C0] =	vst v32  }
0x124: {  	v32 =	vld.idx.msk [tilespmem:v12+s6+$0x0], $0xffff;
	_ =	sdelay $0x4  }
0x125: {  	v32 =	vadd.s32 $0xFFFFFFFF, v32  }
0x126: {  	[tilespmem:$0x6C0] =	vst v32  }
0x127: {  	v32 =	vld.idx.msk [tilespmem:v13+s3+$0x0], $0xffff;
	_ =	sdelay $0x4  }
0x128: {  	v32 =	vadd.s32 $0xFFFFFFFF, v32  }
0x129: {  	[tilespmem:$0x4D0] =	vst v32  }
0x12a: {  	v32 =	vld.idx.msk [tilespmem:v13+s6+$0x0], $0xffff;
	_ =	sdelay $0x4  }
0x12b: {  	v32 =	vadd.s32 $0xFFFFFFFF, v32  }
0x12c: {  	[tilespmem:$0x6D0] =	vst v32  }
0x12d: {  	v32 =	vld.idx.msk [tilespmem:v14+s3+$0x0], $0xffff;
	_ =	sdelay $0x4  }
0x12e: {  	v32 =	vadd.s32 $0xFFFFFFFF, v32  }
0x12f: {  	[tilespmem:$0x4E0] =	vst v32  }
0x130: {  	v32 =	vld.idx.msk [tilespmem:v14+s6+$0x0], $0xffff;
	_ =	sdelay $0x4  }
0x131: {  	v32 =	vadd.s32 $0xFFFFFFFF, v32  }
0x132: {  	[tilespmem:$0x6E0] =	vst v32  }
0x133: {  	v32 =	vld.idx.msk [tilespmem:v15+s3+$0x0], $0xffff;
	_ =	sdelay $0x4  }
0x134: {  	v32 =	vadd.s32 $0xFFFFFFFF, v32  }
0x135: {  	[tilespmem:$0x4F0] =	vst v32  }
0x136: {  	v32 =	vld.idx.msk [tilespmem:v15+s6+$0x0], $0xffff;
	_ =	sdelay $0x4  }
0x137: {  	v32 =	vadd.s32 $0xFFFFFFFF, v32  }
0x138: {  	[tilespmem:$0x6F0] =	vst v32  }
0x139: {  	v32 =	vld.idx.msk [tilespmem:v16+s3+$0x0], $0xffff;
	_ =	sdelay $0x4  }
0x13a: {  	v32 =	vadd.s32 $0xFFFFFFFF, v32  }
0x13b: {  	[tilespmem:$0x500] =	vst v32  }
0x13c: {  	v32 =	vld.idx.msk [tilespmem:v16+s6+$0x0], $0xffff;
	_ =	sdelay $0x4  }
0x13d: {  	v32 =	vadd.s32 $0xFFFFFFFF, v32  }
0x13e: {  	[tilespmem:$0x700] =	vst v32  }
0x13f: {  	v32 =	vld.idx.msk [tilespmem:v17+s3+$0x0], $0xffff;
	_ =	sdelay $0x4  }
0x140: {  	v32 =	vadd.s32 $0xFFFFFFFF, v32  }
0x141: {  	[tilespmem:$0x510] =	vst v32  }
0x142: {  	v32 =	vld.idx.msk [tilespmem:v17+s6+$0x0], $0xffff;
	_ =	sdelay $0x4  }
0x143: {  	v32 =	vadd.s32 $0xFFFFFFFF, v32  }
0x144: {  	[tilespmem:$0x710] =	vst v32  }
0x145: {  	v32 =	vld.idx.msk [tilespmem:v18+s3+$0x0], $0xffff;
	_ =	sdelay $0x4  }
0x146: {  	v32 =	vadd.s32 $0xFFFFFFFF, v32  }
0x147: {  	[tilespmem:$0x520] =	vst v32  }
0x148: {  	v32 =	vld.idx.msk [tilespmem:v18+s6+$0x0], $0xffff;
	_ =	sdelay $0x4  }
0x149: {  	v32 =	vadd.s32 $0xFFFFFFFF, v32  }
0x14a: {  	[tilespmem:$0x720] =	vst v32  }
0x14b: {  	v32 =	vld.idx.msk [tilespmem:v19+s3+$0x0], $0xffff;
	_ =	sdelay $0x4  }
0x14c: {  	v32 =	vadd.s32 $0xFFFFFFFF, v32  }
0x14d: {  	[tilespmem:$0x530] =	vst v32  }
0x14e: {  	v32 =	vld.idx.msk [tilespmem:v19+s6+$0x0], $0xffff;
	_ =	sdelay $0x4  }
0x14f: {  	v32 =	vadd.s32 $0xFFFFFFFF, v32  }
0x150: {  	[tilespmem:$0x730] =	vst v32  }
0x151: {  	v32 =	vld.idx.msk [tilespmem:v20+s3+$0x0], $0xffff;
	_ =	sdelay $0x4  }
0x152: {  	v32 =	vadd.s32 $0xFFFFFFFF, v32  }
0x153: {  	[tilespmem:$0x540] =	vst v32  }
0x154: {  	v32 =	vld.idx.msk [tilespmem:v20+s6+$0x0], $0xffff;
	_ =	sdelay $0x4  }
0x155: {  	v32 =	vadd.s32 $0xFFFFFFFF, v32  }
0x156: {  	[tilespmem:$0x740] =	vst v32  }
0x157: {  	v32 =	vld.idx.msk [tilespmem:v21+s3+$0x0], $0xffff;
	_ =	sdelay $0x4  }
0x158: {  	v32 =	vadd.s32 $0xFFFFFFFF, v32  }
0x159: {  	[tilespmem:$0x550] =	vst v32  }
0x15a: {  	v32 =	vld.idx.msk [tilespmem:v21+s6+$0x0], $0xffff;
	_ =	sdelay $0x4  }
0x15b: {  	v32 =	vadd.s32 $0xFFFFFFFF, v32  }
0x15c: {  	[tilespmem:$0x750] =	vst v32  }
0x15d: {  	v32 =	vld.idx.msk [tilespmem:v22+s3+$0x0], $0xffff;
	_ =	sdelay $0x4  }
0x15e: {  	v32 =	vadd.s32 $0xFFFFFFFF, v32  }
0x15f: {  	[tilespmem:$0x560] =	vst v32  }
0x160: {  	v32 =	vld.idx.msk [tilespmem:v22+s6+$0x0], $0xffff;
	_ =	sdelay $0x4  }
0x161: {  	v32 =	vadd.s32 $0xFFFFFFFF, v32  }
0x162: {  	[tilespmem:$0x760] =	vst v32  }
0x163: {  	v32 =	vld.idx.msk [tilespmem:v23+s3+$0x0], $0xffff;
	_ =	sdelay $0x4  }
0x164: {  	v32 =	vadd.s32 $0xFFFFFFFF, v32  }
0x165: {  	[tilespmem:$0x570] =	vst v32  }
0x166: {  	v32 =	vld.idx.msk [tilespmem:v23+s6+$0x0], $0xffff;
	_ =	sdelay $0x4  }
0x167: {  	v32 =	vadd.s32 $0xFFFFFFFF, v32  }
0x168: {  	[tilespmem:$0x770] =	vst v32  }
0x169: {  	v32 =	vld.idx.msk [tilespmem:v24+s3+$0x0], $0xffff;
	_ =	sdelay $0x4  }
0x16a: {  	v32 =	vadd.s32 $0xFFFFFFFF, v32  }
0x16b: {  	[tilespmem:$0x580] =	vst v32  }
0x16c: {  	v32 =	vld.idx.msk [tilespmem:v24+s6+$0x0], $0xffff;
	_ =	sdelay $0x4  }
0x16d: {  	v32 =	vadd.s32 $0xFFFFFFFF, v32  }
0x16e: {  	[tilespmem:$0x780] =	vst v32  }
0x16f: {  	v32 =	vld.idx.msk [tilespmem:v25+s3+$0x0], $0xffff;
	_ =	sdelay $0x4  }
0x170: {  	v32 =	vadd.s32 $0xFFFFFFFF, v32  }
0x171: {  	[tilespmem:$0x590] =	vst v32  }
0x172: {  	v32 =	vld.idx.msk [tilespmem:v25+s6+$0x0], $0xffff;
	_ =	sdelay $0x4  }
0x173: {  	v32 =	vadd.s32 $0xFFFFFFFF, v32  }
0x174: {  	[tilespmem:$0x790] =	vst v32  }
0x175: {  	v32 =	vld.idx.msk [tilespmem:v26+s3+$0x0], $0xffff;
	_ =	sdelay $0x4  }
0x176: {  	v32 =	vadd.s32 $0xFFFFFFFF, v32  }
0x177: {  	[tilespmem:$0x5A0] =	vst v32  }
0x178: {  	v32 =	vld.idx.msk [tilespmem:v26+s6+$0x0], $0xffff;
	_ =	sdelay $0x4  }
0x179: {  	v32 =	vadd.s32 $0xFFFFFFFF, v32  }
0x17a: {  	[tilespmem:$0x7A0] =	vst v32  }
0x17b: {  	v32 =	vld.idx.msk [tilespmem:v27+s3+$0x0], $0xffff;
	_ =	sdelay $0x4  }
0x17c: {  	v32 =	vadd.s32 $0xFFFFFFFF, v32  }
0x17d: {  	[tilespmem:$0x5B0] =	vst v32  }
0x17e: {  	v32 =	vld.idx.msk [tilespmem:v27+s6+$0x0], $0xffff;
	_ =	sdelay $0x4  }
0x17f: {  	v32 =	vadd.s32 $0xFFFFFFFF, v32  }
0x180: {  	[tilespmem:$0x7B0] =	vst v32  }
0x181: {  	v32 =	vld.idx.msk [tilespmem:v28+s3+$0x0], $0xffff;
	_ =	sdelay $0x4  }
0x182: {  	v32 =	vadd.s32 $0xFFFFFFFF, v32  }
0x183: {  	[tilespmem:$0x5C0] =	vst v32  }
0x184: {  	v32 =	vld.idx.msk [tilespmem:v28+s6+$0x0], $0xffff;
	_ =	sdelay $0x4  }
0x185: {  	v32 =	vadd.s32 $0xFFFFFFFF, v32  }
0x186: {  	[tilespmem:$0x7C0] =	vst v32  }
0x187: {  	v32 =	vld.idx.msk [tilespmem:v29+s3+$0x0], $0xffff;
	_ =	sdelay $0x4  }
0x188: {  	v32 =	vadd.s32 $0xFFFFFFFF, v32  }
0x189: {  	[tilespmem:$0x5D0] =	vst v32  }
0x18a: {  	v32 =	vld.idx.msk [tilespmem:v29+s6+$0x0], $0xffff;
	_ =	sdelay $0x4  }
0x18b: {  	v32 =	vadd.s32 $0xFFFFFFFF, v32  }
0x18c: {  	[tilespmem:$0x7D0] =	vst v32  }
0x18d: {  	v32 =	vld.idx.msk [tilespmem:v30+s3+$0x0], $0xffff;
	_ =	sdelay $0x4  }
0x18e: {  	v32 =	vadd.s32 $0xFFFFFFFF, v32  }
0x18f: {  	[tilespmem:$0x5E0] =	vst v32  }
0x190: {  	v32 =	vld.idx.msk [tilespmem:v30+s6+$0x0], $0xffff;
	_ =	sdelay $0x4  }
0x191: {  	v32 =	vadd.s32 $0xFFFFFFFF, v32  }
0x192: {  	[tilespmem:$0x7E0] =	vst v32  }
0x193: {  	v32 =	vld.idx.msk [tilespmem:v31+s3+$0x0], $0xffff;
	_ =	sdelay $0x4  }
0x194: {  	v32 =	vadd.s32 $0xFFFFFFFF, v32  }
0x195: {  	[tilespmem:$0x5F0] =	vst v32  }
0x196: {  	v32 =	vld.idx.msk [tilespmem:v31+s6+$0x0], $0xffff;
	_ =	sdelay $0x4  }
0x197: {  	v32 =	vadd.s32 $0xFFFFFFFF, v32  }
0x198: {  	[tilespmem:$0x7F0] =	vst v32  }
0x199: {  	[tilespmem:s15], [sflag:$0x1] =	stream.indirect.gather [hbm4b:s4+s7], $0x20, s14, s7, $0xb8;
	[tilespmem:$0x8800] =	vst v63  }
0x19a: {  	_ = 	snop  }
0x19b: {  	[tilespmem:s17], [sflag:$0x1] =	stream.indirect.gather [hbm4b:s2+s7], $0x20, s16, s7, $0xb8;
	[tilespmem:$0x8800] =	vst v63  }
0x19c: {  	_ = 	snop  }
0x19d: {  	[tilespmem:s19], [sflag:$0x1] =	stream.indirect.gather [hbm4b:s4+s7], $0x20, s18, s7, $0xb8;
	[tilespmem:$0x8800] =	vst v63  }
0x19e: {  	_ = 	snop  }
0x19f: {  	[tilespmem:s21], [sflag:$0x1] =	stream.indirect.gather [hbm4b:s2+s7], $0x20, s20, s7, $0xb8;
	[tilespmem:$0x8800] =	vst v63  }
0x1a0: {  	_ = 	snop  }
0x1a1: {  	[tilespmem:s23], [sflag:$0x1] =	stream.indirect.gather [hbm4b:s4+s7], $0x20, s22, s7, $0xb8;
	[tilespmem:$0x8800] =	vst v63  }
0x1a2: {  	_ = 	snop  }
0x1a3: {  	[tilespmem:s25], [sflag:$0x1] =	stream.indirect.gather [hbm4b:s2+s7], $0x20, s24, s7, $0xb8;
	[tilespmem:$0x8800] =	vst v63  }
0x1a4: {  	_ = 	snop  }
0x1a5: {  	[tilespmem:s28], [sflag:$0x1] =	stream.indirect.gather [hbm4b:s4+s7], $0x20, s26, s7, $0xb8;
	[tilespmem:$0x8800] =	vst v63  }
0x1a6: {  	_ = 	snop  }
0x1a7: {  	[tilespmem:s30], [sflag:$0x1] =	stream.indirect.gather [hbm4b:s2+s7], $0x20, s29, s7, $0xb8;
	[tilespmem:$0x8800] =	vst v63  }
0x1a8: {  	_ =	swait.ge [sflag:s31], $0x1000  }
0x1a9: {  	[sflag:s31] =	ssyncset.done $0x0  }
0x1aa: {  	[sflag:s31] =	ssyncadd.s32 $0xFFFFF000  }
0x1ab: {  	_ =	swait.ge [sflag:s31], $0x1000  }
0x1ac: {  	[sflag:s31] =	ssyncset.done $0x0  }
0x1ad: {  	[sflag:s31] =	ssyncadd.s32 $0xFFFFF000  }
0x1ae: {  	_ =	swait.ge [sflag:s31], $0x1000  }
0x1af: {  	[sflag:s31] =	ssyncset.done $0x0  }
0x1b0: {  	[sflag:s31] =	ssyncadd.s32 $0xFFFFF000  }
0x1b1: {  	_ =	swait.ge [sflag:s31], $0x1000  }
0x1b2: {  	[sflag:s31] =	ssyncset.done $0x0  }
0x1b3: {  	[sflag:s31] =	ssyncadd.s32 $0xFFFFF000  }
0x1b4: {  	_ =	swait.ge [sflag:s31], $0x1000  }
0x1b5: {  	[sflag:s31] =	ssyncset.done $0x0  }
0x1b6: {  	[sflag:s31] =	ssyncadd.s32 $0xFFFFF000  }
0x1b7: {  	_ =	swait.ge [sflag:s31], $0x1000  }
0x1b8: {  	[sflag:s31] =	ssyncset.done $0x0  }
0x1b9: {  	[sflag:s31] =	ssyncadd.s32 $0xFFFFF000  }
0x1ba: {  	_ =	swait.ge [sflag:s31], $0x1000  }
0x1bb: {  	[sflag:s31] =	ssyncset.done $0x0  }
0x1bc: {  	[sflag:s31] =	ssyncadd.s32 $0xFFFFF000  }
0x1bd: {  	_ =	swait.ge [sflag:s31], $0x1000  }
0x1be: {  	[sflag:s31] =	ssyncset.done $0x0  }
0x1bf: {  	s8 =	rddreg [dreg:$0xd];
	[sflag:s31] =	ssyncadd.s32 $0xFFFFF000  }
0x1c0: {  	[hbm4b:s8+s3] =	stream.linear.scatter [tilespmem:s15], [sflag:$0x3], $0x4000, $0x38;
	[tilespmem:$0x8800] =	vst v63  }
0x1c1: {  	_ =	swait.ge [sflag:s1], $0x4000  }
0x1c2: {  	p0 =	sne.s32 s5, $0x1;
	[sflag:s1] =	ssyncset.done $0x0  }
.Ltmp0:
0x1c3: {  	s9 =	rddreg [dreg:$0xe];
	[sflag:s1] =	ssyncadd.s32 $0xFFFFC000;
	(pc) =	sbr.rel @p0 .LBB2_1-.Ltmp0, $4  }
0x1c4: {  	[hbm4b:s9+s3] =	stream.linear.scatter [tilespmem:s17], [sflag:$0x3], $0x4000, $0x38;
	[tilespmem:$0x8800] =	vst v63  }
0x1c5: {  	_ =	swait.ge [sflag:s1], $0x4000  }
0x1c6: {  	[sflag:s1] =	ssyncset.done $0x0  }
0x1c7: {  	s5 =	sadd.s32 $0xFFFFFFFF, s5;
	[sflag:s1] =	ssyncadd.s32 $0xFFFFC000  }
0x1c8: {  	_ =	sfence.sel $0x180000  }
0x1c9: {  	[bflag:$0x0] =	sbarrier.arrive $0xFFFF  }
0x1ca: {  	_ =	strace $0x90000047  }
0x1cb: {  	s0 =	stileid.u32;
	[bflag:$0x2] =	sbarrier.arrive $0xFFFF  }
0x1cc: {  	p0 =	sne.s32 s0, $0x0;
	s0 =	rddreg [dreg:$0x4]  }
0x1cd: {  	s0 =	sadd.s32 @!p0 $0x100000, s0  }
0x1ce: {  	[sflag:s0] =	ssyncadd.tile.s32 @!p0 $0x1;
	_ =	shalt  }
.Lfunc_end2:
_tile_overlayer_lowered:
.L_overlay_start_2:
0x1cf: {  	(tag) =	ssettag $0x2  }
0x1d0: {  	s0 =	rddreg [dreg:$0x0];
	s2 =	stileid.u32  }
0x1d1: {  	s1 =	rddreg [dreg:$0x1];
	p0 =	sne.s32 s2, $0x0  }
0x1d2: {  	s3 =	rddreg [dreg:$0x2];
	[bflag:$0x3] =	sbarrier.arrive $0xFFFF;
	s2 =	simm.s32 @!p0 $0x1C03  }
0x1d3: {  	[timem:s3], [sflag:s2] =	dma.local @!p0 [hbm:s0], s1  }
0x1d4: {  	s0 =	simm.s32 @!p0 $0x3  }
0x1d5: {  	_ =	swait.ge @!p0 [sflag:s0], s1  }
0x1d6: {  	s1 =	ssub.s32 @!p0 $0x0, s1;
	[sflag:s0] =	ssyncset.done @!p0 $0x0  }
0x1d7: {  	[sflag:s0] =	ssyncadd.s32 @!p0 s1  }
0x1d8: {  	[bflag:$0x3] =	sbarrier.arrive $0xFFFF  }
0x1d9: {  	_ =	shalt  }

</sc_bundles>
